<compile_context>
chip_gen: v7x
topology: tpu7x:2x2x1
jax: 0.10.2.dev20260603
libtpu: 0.0.44.dev20260713+nightly
codegen_flags: <defaults>
</compile_context>

<pallas_src>
import jax
import jax.numpy as jnp
from jax import lax
from jax.experimental import pallas as pl
from jax.experimental.pallas import tpu as pltpu
from jax.experimental.pallas import tpu_sc as plsc

EMBED_DIM = 32
MODEL_DIM = 128
CHUNK = 128
KG = 10
LANES = 16
DW = 16384
DW4 = DW // 4
DW4_SHIFT = DW4.bit_length() - 1


def _sc_gather(prev_flat, cur_flat, table):
    n = prev_flat.shape[0]
    mesh = plsc.VectorSubcoreMesh(core_axis_name="c", subcore_axis_name="s")
    nc, ns = mesh.num_cores, mesh.num_subcores
    nw = nc * ns
    n_per_w = n // nw
    assert n_per_w * nw == n and n_per_w % CHUNK == 0
    nchunks = n_per_w // CHUNK
    tail_start = (table.shape[0] // DW) * DW

    def body(prev_hbm, cur_hbm, table_hbm, out_hbm, prev_v, cur_v, idx_v,
             rows_v, sem_g, sem_o):
        wid = lax.axis_index("s") * nc + lax.axis_index("c")
        base = wid * n_per_w
        pltpu.sync_copy(prev_hbm.at[pl.ds(base, n_per_w)], prev_v)
        pltpu.sync_copy(cur_hbm.at[pl.ds(base, n_per_w)], cur_v)

        def hash_row(j, carry):
            def hash_col(k, carry2):
                o = j * CHUNK + k * LANES
                p = prev_v[pl.ds(o, LANES)]
                c = cur_v[pl.ds(o, LANES)]
                t = p * 1000003 + c
                r = lax.rem(t, 1000000)
                h = jnp.where(r < 0, r + 1000000, r)
                kk = jnp.bitwise_and(h, DW - 1)
                f = (h - kk) + jnp.left_shift(
                    jnp.bitwise_and(kk, DW4 - 1), 2) + jnp.right_shift(
                        kk, DW4_SHIFT)
                idx_v[j, pl.ds(k * LANES, LANES)] = jnp.where(
                    h >= tail_start, h, f)
                return carry2
            return lax.fori_loop(0, CHUNK // LANES, hash_col, carry)
        lax.fori_loop(0, nchunks, hash_row, 0)

        def drain(nrow, dst, s):
            pltpu.make_async_copy(table_hbm.at[pl.ds(0, nrow)], dst, s).wait()

        def group(g, carry):
            gs = lax.rem(g, 2)

            @pl.when(g >= 2)
            def _():
                drain(KG * CHUNK, rows_v.at[gs], sem_o.at[gs])

            c0 = g * KG
            for t in range(KG):
                pltpu.async_copy(table_hbm.at[idx_v.at[c0 + t]],
                                 rows_v.at[gs, pl.ds(t * CHUNK, CHUNK)],
                                 sem_g.at[gs])
            for t in range(KG):
                drain(CHUNK, rows_v.at[gs, pl.ds(t * CHUNK, CHUNK)],
                      sem_g.at[gs])
            pltpu.async_copy(rows_v.at[gs],
                             out_hbm.at[pl.ds(base + c0 * CHUNK, KG * CHUNK)],
                             sem_o.at[gs])
            return carry
        lax.fori_loop(0, nchunks // KG, group, 0)
        for gs in range(2):
            drain(KG * CHUNK, rows_v.at[gs], sem_o.at[gs])

    f = pl.kernel(
        body,
        mesh=mesh,
        compiler_params=pltpu.CompilerParams(use_tc_tiling_on_sc=False),
        out_type=jax.ShapeDtypeStruct((n, EMBED_DIM), jnp.float32),
        scratch_types=[
            pltpu.VMEM((n_per_w,), jnp.int32),
            pltpu.VMEM((n_per_w,), jnp.int32),
            pltpu.VMEM((nchunks, CHUNK), jnp.int32),
            pltpu.VMEM((2, KG * CHUNK, EMBED_DIM), jnp.float32),
            pltpu.SemaphoreType.DMA((2,)),
            pltpu.SemaphoreType.DMA((2,)),
        ],
    )
    return f(prev_flat, cur_flat, table)


def _detile_body(t_ref, o_ref, s_ref):
    i = pl.program_id(0)
    nlast = pl.num_programs(0) - 1

    @pl.when(i != nlast)
    def _fast():
        for c in range(4):
            o_ref[:, 32 * c:32 * (c + 1)] = t_ref[:, DW4 * c:DW4 * (c + 1)].T

    @pl.when(i == nlast)
    def _tail():
        nt = s_ref.shape[0]
        s_ref[...] = t_ref[:, :nt].T
        for c in range(4):
            o_ref[pl.ds(0, nt // 4), 32 * c:32 * (c + 1)] = (
                s_ref[pl.Slice(c, nt // 4, 4), :])


def _tc_detile(tblT):
    v = tblT.shape[1]
    ntail = v - (v // DW) * DW
    assert ntail % 8 == 0 and ntail > 0
    return pl.pallas_call(
        _detile_body,
        grid=(pl.cdiv(v, DW),),
        in_specs=[pl.BlockSpec((EMBED_DIM, DW), lambda i: (0, i))],
        out_specs=pl.BlockSpec((DW4, 128), lambda i: (i, 0)),
        out_shape=jax.ShapeDtypeStruct((v // 4, 128), jnp.float32),
        scratch_shapes=[pltpu.VMEM((ntail, EMBED_DIM), jnp.float32)],
    )(tblT)


def _mm_body(e4_ref, w_ref, o_ref):
    for a in range(4):
        ea = e4_ref[:, 32 * a:32 * (a + 1)]
        oa = lax.dot_general(ea, w_ref[...], (((1,), (1,)), ((), ())),
                             preferred_element_type=jnp.float32)
        o_ref[pl.Slice(a, 512, 4), :] = oa


def _tc_matmul(e4, proj_w):
    n4 = e4.shape[0]
    blk4 = 512
    return pl.pallas_call(
        _mm_body,
        grid=(n4 // blk4,),
        in_specs=[
            pl.BlockSpec((blk4, 128), lambda i: (i, 0)),
            pl.BlockSpec((MODEL_DIM, EMBED_DIM), lambda i: (0, 0)),
        ],
        out_specs=pl.BlockSpec((4 * blk4, MODEL_DIM), lambda i: (i, 0)),
        out_shape=jax.ShapeDtypeStruct((4 * n4, MODEL_DIM), jnp.float32),
    )(e4, proj_w)


@jax.jit
def kernel(prev_ids, cur_ids, embed_table, proj_w):
    b, l = prev_ids.shape
    prev = prev_ids.T.reshape(-1).astype(jnp.int32)
    cur = cur_ids.T.reshape(-1).astype(jnp.int32)
    table_lin = _tc_detile(embed_table.T).reshape(embed_table.shape)
    e_flat = _sc_gather(prev, cur, table_lin)
    e4 = e_flat.reshape(e_flat.shape[0] // 4, 4 * EMBED_DIM)
    out = _tc_matmul(e4, proj_w)
    return out.reshape(l, b, MODEL_DIM).transpose(1, 0, 2)

# --- scband reference (transcript-rebuilt; emitter-appended) ---
"""Pipeline reference for scband-bigram-hash-72524817760536 (READ-ONLY COPY).

The authoritative reference and input builder live on the scoring server;
editing this copy changes nothing except your own understanding.
"""

import jax, jax.numpy as jnp
import numpy as np

VOCAB = 100000
NUM_BUCKETS = 1000000
EMBED_DIM = 32
MODEL_DIM = 128
B, L = 4096, 50


def setup_inputs(seed: int = 0) -> dict:
    key = jax.random.key(seed)
    k1, k2, k3, k4 = jax.random.split(key, 4)
    prev_ids = jax.random.randint(k1, (B, L), 0, VOCAB, dtype=jnp.int64) if jax.config.jax_enable_x64 else jax.random.randint(k1, (B, L), 0, VOCAB, dtype=jnp.int32)
    cur_ids = jax.random.randint(k2, (B, L), 0, VOCAB, dtype=prev_ids.dtype)
    embed_table = jax.random.normal(k3, (NUM_BUCKETS, EMBED_DIM), dtype=jnp.float32)
    # proj is zero-init in the original module (_zero_init flag), but we use
    # small random weights so the output is non-degenerate for benchmarking.
    proj_w = jax.random.normal(k4, (MODEL_DIM, EMBED_DIM), dtype=jnp.float32) * (1.0 / np.sqrt(EMBED_DIM))
    return {"prev_ids": prev_ids, "cur_ids": cur_ids, "embed_table": embed_table, "proj_w": proj_w}


def reference(prev_ids, cur_ids, embed_table, proj_w):
    # hash: (prev * 1000003 + cur) % num_buckets  (computed in wide int to avoid overflow)
    h = (prev_ids.astype(jnp.int64) * 1000003 + cur_ids.astype(jnp.int64)) % NUM_BUCKETS
    e = jnp.take(embed_table, h, axis=0)              # [B, L, EMBED_DIM] gather
    out = jnp.einsum('bld,md->blm', e, proj_w)        # F.linear: x @ W.T
    return out

if __name__ == "__main__":
    import jax
    _d = setup_inputs()
    print(jax.jit(kernel)(*tuple(_d.values())))

</pallas_src>

<mosaic_0001>
#map = affine_map<(d0, d1) -> (0)>
#map1 = affine_map<(d0, d1) -> (0, 0)>
module attributes {stable_mosaic.version = 14 : i64} {
  func.func @body(%arg0: i32, %arg1: i32, %arg2: memref<204800xi32, #tpu.memory_space<hbm>>, %arg3: memref<204800xi32, #tpu.memory_space<hbm>>, %arg4: memref<1000000x32xf32, #tpu.memory_space<hbm>>, %arg5: memref<204800x32xf32, #tpu.memory_space<hbm>>, %arg6: memref<6400xi32, #tpu.memory_space<vmem>>, %arg7: memref<6400xi32, #tpu.memory_space<vmem>>, %arg8: memref<50x128xi32, #tpu.memory_space<vmem>>, %arg9: memref<2x1280x32xf32, #tpu.memory_space<vmem>>, %arg10: memref<2x!tpu.dma_semaphore, #tpu.memory_space<semaphore_mem>>, %arg11: memref<2x!tpu.dma_semaphore, #tpu.memory_space<semaphore_mem>>) attributes {dimension_semantics = [#tpu.dimension_semantics<core_parallel>, #tpu.dimension_semantics<subcore_parallel>], iteration_bounds = array<i64: 2, 16>, scalar_prefetch = 0 : i64, scratch_operands = 6 : i64, tpu.core_type = #tpu.core_type<sc_vector_subcore>, window_params = [{transform_indices = #map}, {transform_indices = #map}, {transform_indices = #map1}, {transform_indices = #map1}]} {
    %mul3A = arith.constant 2 : i32
    %mul3A_0 = arith.muli %arg1, %mul3A : i32
    %add3A = arith.addi %mul3A_0, %arg0 : i32
    %mul3A_1 = arith.constant 6400 : i32
    %mul3A_2 = arith.muli %add3A, %mul3A_1 : i32
    "tpu.region"() ({
      %run_scoped3A = tpu.sem_alloc : memref<!tpu.dma_semaphore, #tpu.memory_space<semaphore_mem>>
      %dma_start3A = tpu.memref_slice %arg2[%mul3A_2] : memref<204800xi32, #tpu.memory_space<hbm>> -> memref<6400xi32, #tpu.memory_space<hbm>>
      %dma_start3A_49 = tpu.memref_slice %arg2[%mul3A_2] : memref<204800xi32, #tpu.memory_space<hbm>> -> memref<6400xi32, #tpu.memory_space<hbm>>
      tpu.enqueue_dma source(%dma_start3A_49 : memref<6400xi32, #tpu.memory_space<hbm>>) target(%arg6 : memref<6400xi32, #tpu.memory_space<vmem>>) target_semaphore(%run_scoped3A : memref<!tpu.dma_semaphore, #tpu.memory_space<semaphore_mem>>)
      %dma_wait3A_50 = tpu.memref_slice %arg2[%mul3A_2] : memref<204800xi32, #tpu.memory_space<hbm>> -> memref<6400xi32, #tpu.memory_space<hbm>>
      %dma_wait3A_51 = tpu.memref_slice %arg2[%mul3A_2] : memref<204800xi32, #tpu.memory_space<hbm>> -> memref<6400xi32, #tpu.memory_space<hbm>>
      tpu.wait_dma2 semaphore(%run_scoped3A : memref<!tpu.dma_semaphore, #tpu.memory_space<semaphore_mem>>) src(%dma_wait3A_51 : memref<6400xi32, #tpu.memory_space<hbm>>) dst(%arg6 : memref<6400xi32, #tpu.memory_space<vmem>>)
      tpu.yield
    }) : () -> ()
    "tpu.region"() ({
      %run_scoped3A = tpu.sem_alloc : memref<!tpu.dma_semaphore, #tpu.memory_space<semaphore_mem>>
      %dma_start3A = tpu.memref_slice %arg3[%mul3A_2] : memref<204800xi32, #tpu.memory_space<hbm>> -> memref<6400xi32, #tpu.memory_space<hbm>>
      %dma_start3A_49 = tpu.memref_slice %arg3[%mul3A_2] : memref<204800xi32, #tpu.memory_space<hbm>> -> memref<6400xi32, #tpu.memory_space<hbm>>
      tpu.enqueue_dma source(%dma_start3A_49 : memref<6400xi32, #tpu.memory_space<hbm>>) target(%arg7 : memref<6400xi32, #tpu.memory_space<vmem>>) target_semaphore(%run_scoped3A : memref<!tpu.dma_semaphore, #tpu.memory_space<semaphore_mem>>)
      %dma_wait3A_50 = tpu.memref_slice %arg3[%mul3A_2] : memref<204800xi32, #tpu.memory_space<hbm>> -> memref<6400xi32, #tpu.memory_space<hbm>>
      %dma_wait3A_51 = tpu.memref_slice %arg3[%mul3A_2] : memref<204800xi32, #tpu.memory_space<hbm>> -> memref<6400xi32, #tpu.memory_space<hbm>>
      tpu.wait_dma2 semaphore(%run_scoped3A : memref<!tpu.dma_semaphore, #tpu.memory_space<semaphore_mem>>) src(%dma_wait3A_51 : memref<6400xi32, #tpu.memory_space<hbm>>) dst(%arg7 : memref<6400xi32, #tpu.memory_space<vmem>>)
      tpu.yield
    }) : () -> ()
    %scan3A = arith.constant 0 : i32
    %scan3A_3 = arith.constant 0 : i32
    %scan3A_4 = arith.constant 50 : i32
    %scan3A_5 = arith.addi %scan3A_3, %scan3A_4 : i32
    %scan3A_6 = arith.constant 1 : i32
    scf.for %scan3A_49 = %scan3A_3 to %scan3A_5 step %scan3A_6  : i32 {
      %scan3A_50 = arith.constant 0 : i32
      %scan3A_51 = arith.constant 8 : i32
      %scan3A_52 = arith.addi %scan3A_50, %scan3A_51 : i32
      %scan3A_53 = arith.constant 1 : i32
      scf.for %scan3A_55 = %scan3A_50 to %scan3A_52 step %scan3A_53  : i32 {
        %mul3A_56 = arith.constant 128 : i32
        %mul3A_57 = arith.muli %scan3A_49, %mul3A_56 : i32
        %mul3A_58 = arith.constant 16 : i32
        %mul3A_59 = arith.muli %scan3A_55, %mul3A_58 : i32
        %add3A_60 = arith.addi %mul3A_57, %mul3A_59 : i32
        %get3A = arith.index_cast %add3A_60 : i32 to index
        %get3A_61 = tpu.vector_load %arg6[%get3A] {strides = array<i32>} : memref<6400xi32, #tpu.memory_space<vmem>>, vector<16xi32>,
        %get3A_62 = vector.shape_cast %get3A_61 : vector<16xi32> to vector<16xi32>
        %get3A_63 = arith.index_cast %add3A_60 : i32 to index
        %get3A_64 = tpu.vector_load %arg7[%get3A_63] {strides = array<i32>} : memref<6400xi32, #tpu.memory_space<vmem>>, vector<16xi32>,
        %get3A_65 = vector.shape_cast %get3A_64 : vector<16xi32> to vector<16xi32>
        %mul3A_66 = arith.constant 1000003 : i32
        %mul3A_67 = vector.broadcast %mul3A_66 : i32 to vector<16xi32>
        %mul3A_68 = arith.muli %get3A_62, %mul3A_67 : vector<16xi32>
        %add3A_69 = arith.addi %mul3A_68, %get3A_65 : vector<16xi32>
        %rem3A = arith.constant 1000000 : i32
        %rem3A_70 = vector.broadcast %rem3A : i32 to vector<16xi32>
        %rem3A_71 = arith.remsi %add3A_69, %rem3A_70 : vector<16xi32>
        %lt3A = arith.constant 0 : i32
        %lt3A_72 = vector.broadcast %lt3A : i32 to vector<16xi32>
        %lt3A_73 = arith.cmpi slt, %rem3A_71, %lt3A_72 : vector<16xi32>
        %add3A_74 = arith.constant 1000000 : i32
        %add3A_75 = vector.broadcast %add3A_74 : i32 to vector<16xi32>
        %add3A_76 = arith.addi %rem3A_71, %add3A_75 : vector<16xi32>
        %select_n3A = arith.select %lt3A_73, %add3A_76, %rem3A_71 : vector<16xi1>, vector<16xi32>
        %and3A = arith.constant 16383 : i32
        %and3A_77 = vector.broadcast %and3A : i32 to vector<16xi32>
        %and3A_78 = arith.andi %select_n3A, %and3A_77 : vector<16xi32>
        %sub3A = arith.subi %select_n3A, %and3A_78 : vector<16xi32>
        %and3A_79 = arith.constant 4095 : i32
        %and3A_80 = vector.broadcast %and3A_79 : i32 to vector<16xi32>
        %and3A_81 = arith.andi %and3A_78, %and3A_80 : vector<16xi32>
        %shift_left3A = arith.constant 2 : i32
        %shift_left3A_82 = vector.broadcast %shift_left3A : i32 to vector<16xi32>
        %shift_left3A_83 = arith.shli %and3A_81, %shift_left3A_82 : vector<16xi32>
        %add3A_84 = arith.addi %sub3A, %shift_left3A_83 : vector<16xi32>
        %shift_right_arithmetic3A = arith.constant 12 : i32
        %shift_right_arithmetic3A_85 = vector.broadcast %shift_right_arithmetic3A : i32 to vector<16xi32>
        %shift_right_arithmetic3A_86 = arith.shrsi %and3A_78, %shift_right_arithmetic3A_85 : vector<16xi32>
        %add3A_87 = arith.addi %add3A_84, %shift_right_arithmetic3A_86 : vector<16xi32>
        %ge3A = arith.constant 999424 : i32
        %ge3A_88 = vector.broadcast %ge3A : i32 to vector<16xi32>
        %ge3A_89 = arith.cmpi sge, %select_n3A, %ge3A_88 : vector<16xi32>
        %select_n3A_90 = arith.select %ge3A_89, %select_n3A, %add3A_87 : vector<16xi1>, vector<16xi32>
        %mul3A_91 = arith.constant 16 : i32
        %mul3A_92 = arith.muli %scan3A_55, %mul3A_91 : i32
        %swap3A = arith.index_cast %scan3A_49 : i32 to index
        %swap3A_93 = arith.index_cast %mul3A_92 : i32 to index
        %swap3A_94 = tpu.vector_load %arg8[%swap3A, %swap3A_93] {strides = array<i32>} : memref<50x128xi32, #tpu.memory_space<vmem>>, vector<1x16xi32>,
        %swap3A_95 = vector.shape_cast %swap3A_94 : vector<1x16xi32> to vector<16xi32>
        %swap3A_96 = vector.shape_cast %select_n3A_90 : vector<16xi32> to vector<1x16xi32>
        tpu.vector_store %arg8[%swap3A, %swap3A_93], %swap3A_96 {strides = array<i32>} : memref<50x128xi32, #tpu.memory_space<vmem>>, vector<1x16xi32>,
      }
      %scan3A_54 = arith.constant 8 : i32
    }
    %scan3A_7 = arith.constant 50 : i32
    %scan3A_8 = arith.constant 0 : i32
    %scan3A_9 = arith.constant 0 : i32
    %scan3A_10 = arith.constant 5 : i32
    %scan3A_11 = arith.addi %scan3A_9, %scan3A_10 : i32
    %scan3A_12 = arith.constant 1 : i32
    scf.for %scan3A_49 = %scan3A_9 to %scan3A_11 step %scan3A_12  : i32 {
      %rem3A = arith.constant 2 : i32
      %rem3A_50 = arith.remsi %scan3A_49, %rem3A : i32
      %ge3A = arith.constant 2 : i32
      %ge3A_51 = arith.cmpi sge, %scan3A_49, %ge3A : i32
      %convert_element_type3A = arith.extui %ge3A_51 : i1 to i32
      %cond3A = arith.constant 0 : i32
      %cond3A_52 = arith.cmpi ne, %convert_element_type3A, %cond3A : i32
      scf.if %cond3A_52 {
        %dma_wait3A_371 = arith.constant 0 : i32
        %dma_wait3A_372 = arith.constant 0 : i32
        %dma_wait3A_373 = tpu.memref_slice %arg9[%rem3A_50, %dma_wait3A_371, %dma_wait3A_372] : memref<2x1280x32xf32, #tpu.memory_space<vmem>> -> memref<1x1280x32xf32, #tpu.memory_space<vmem>>
        %dma_wait3A_374 = tpu.memref_squeeze %dma_wait3A_373 : memref<1x1280x32xf32, #tpu.memory_space<vmem>> -> memref<1280x32xf32, #tpu.memory_space<vmem>>
        %dma_wait3A_375 = arith.constant 0 : i32
        %dma_wait3A_376 = arith.constant 0 : i32
        %dma_wait3A_377 = tpu.memref_slice %arg4[%dma_wait3A_375, %dma_wait3A_376] : memref<1000000x32xf32, #tpu.memory_space<hbm>> -> memref<1280x32xf32, #tpu.memory_space<hbm>>
        %dma_wait3A_378 = tpu.memref_slice %arg11[%rem3A_50] : memref<2x!tpu.dma_semaphore, #tpu.memory_space<semaphore_mem>> -> memref<1x!tpu.dma_semaphore, #tpu.memory_space<semaphore_mem>>
        %dma_wait3A_379 = tpu.memref_squeeze %dma_wait3A_378 : memref<1x!tpu.dma_semaphore, #tpu.memory_space<semaphore_mem>> -> memref<!tpu.dma_semaphore, #tpu.memory_space<semaphore_mem>>
        %dma_wait3A_380 = arith.constant 0 : i32
        %dma_wait3A_381 = arith.constant 0 : i32
        %dma_wait3A_382 = tpu.memref_slice %arg9[%rem3A_50, %dma_wait3A_380, %dma_wait3A_381] : memref<2x1280x32xf32, #tpu.memory_space<vmem>> -> memref<1x1280x32xf32, #tpu.memory_space<vmem>>
        %dma_wait3A_383 = tpu.memref_squeeze %dma_wait3A_382 : memref<1x1280x32xf32, #tpu.memory_space<vmem>> -> memref<1280x32xf32, #tpu.memory_space<vmem>>
        %dma_wait3A_384 = arith.constant 0 : i32
        %dma_wait3A_385 = arith.constant 0 : i32
        %dma_wait3A_386 = tpu.memref_slice %arg4[%dma_wait3A_384, %dma_wait3A_385] : memref<1000000x32xf32, #tpu.memory_space<hbm>> -> memref<1280x32xf32, #tpu.memory_space<hbm>>
        tpu.wait_dma2 semaphore(%dma_wait3A_379 : memref<!tpu.dma_semaphore, #tpu.memory_space<semaphore_mem>>) src(%dma_wait3A_386 : memref<1280x32xf32, #tpu.memory_space<hbm>>) dst(%dma_wait3A_383 : memref<1280x32xf32, #tpu.memory_space<vmem>>)
      } else {
      }
      %mul3A_53 = arith.constant 10 : i32
      %mul3A_54 = arith.muli %scan3A_49, %mul3A_53 : i32
      %add3A_55 = arith.constant 0 : i32
      %add3A_56 = arith.addi %mul3A_54, %add3A_55 : i32
      %dma_start3A = arith.constant 0 : i32
      %dma_start3A_57 = arith.constant 0 : i32
      %dma_start3A_58 = tpu.memref_slice %arg9[%rem3A_50, %dma_start3A, %dma_start3A_57] : memref<2x1280x32xf32, #tpu.memory_space<vmem>> -> memref<1x128x32xf32, #tpu.memory_space<vmem>>
      %dma_start3A_59 = tpu.memref_squeeze %dma_start3A_58 : memref<1x128x32xf32, #tpu.memory_space<vmem>> -> memref<128x32xf32, #tpu.memory_space<vmem>>
      %dma_start3A_60 = arith.constant 0 : i32
      %dma_start3A_61 = tpu.memref_slice %arg8[%add3A_56, %dma_start3A_60] : memref<50x128xi32, #tpu.memory_space<vmem>> -> memref<1x128xi32, #tpu.memory_space<vmem>>
      %dma_start3A_62 = tpu.memref_squeeze %dma_start3A_61 : memref<1x128xi32, #tpu.memory_space<vmem>> -> memref<128xi32, #tpu.memory_space<vmem>>
      %dma_start3A_63 = arith.constant 0 : i32
      %dma_start3A_64 = arith.constant 0 : i32
      %dma_start3A_65 = tpu.memref_slice %arg4[%dma_start3A_63, %dma_start3A_64] : memref<1000000x32xf32, #tpu.memory_space<hbm>> -> memref<1000000x32xf32, #tpu.memory_space<hbm>>
      %dma_start3A_66 = tpu.memref_slice %arg10[%rem3A_50] : memref<2x!tpu.dma_semaphore, #tpu.memory_space<semaphore_mem>> -> memref<1x!tpu.dma_semaphore, #tpu.memory_space<semaphore_mem>>
      %dma_start3A_67 = tpu.memref_squeeze %dma_start3A_66 : memref<1x!tpu.dma_semaphore, #tpu.memory_space<semaphore_mem>> -> memref<!tpu.dma_semaphore, #tpu.memory_space<semaphore_mem>>
      tpu.enqueue_indirect_dma source(%dma_start3A_65 : memref<1000000x32xf32, #tpu.memory_space<hbm>>) target(%dma_start3A_59 : memref<128x32xf32, #tpu.memory_space<vmem>>) offsets(%dma_start3A_62 : memref<128xi32, #tpu.memory_space<vmem>>) semaphore(%dma_start3A_67 : memref<!tpu.dma_semaphore, #tpu.memory_space<semaphore_mem>>)
      %add3A_68 = arith.constant 1 : i32
      %add3A_69 = arith.addi %mul3A_54, %add3A_68 : i32
      %dma_start3A_70 = arith.constant 128 : i32
      %dma_start3A_71 = arith.constant 0 : i32
      %dma_start3A_72 = tpu.memref_slice %arg9[%rem3A_50, %dma_start3A_70, %dma_start3A_71] : memref<2x1280x32xf32, #tpu.memory_space<vmem>> -> memref<1x128x32xf32, #tpu.memory_space<vmem>>
      %dma_start3A_73 = tpu.memref_squeeze %dma_start3A_72 : memref<1x128x32xf32, #tpu.memory_space<vmem>> -> memref<128x32xf32, #tpu.memory_space<vmem>>
      %dma_start3A_74 = arith.constant 0 : i32
      %dma_start3A_75 = tpu.memref_slice %arg8[%add3A_69, %dma_start3A_74] : memref<50x128xi32, #tpu.memory_space<vmem>> -> memref<1x128xi32, #tpu.memory_space<vmem>>
      %dma_start3A_76 = tpu.memref_squeeze %dma_start3A_75 : memref<1x128xi32, #tpu.memory_space<vmem>> -> memref<128xi32, #tpu.memory_space<vmem>>
      %dma_start3A_77 = arith.constant 0 : i32
      %dma_start3A_78 = arith.constant 0 : i32
      %dma_start3A_79 = tpu.memref_slice %arg4[%dma_start3A_77, %dma_start3A_78] : memref<1000000x32xf32, #tpu.memory_space<hbm>> -> memref<1000000x32xf32, #tpu.memory_space<hbm>>
      %dma_start3A_80 = tpu.memref_slice %arg10[%rem3A_50] : memref<2x!tpu.dma_semaphore, #tpu.memory_space<semaphore_mem>> -> memref<1x!tpu.dma_semaphore, #tpu.memory_space<semaphore_mem>>
      %dma_start3A_81 = tpu.memref_squeeze %dma_start3A_80 : memref<1x!tpu.dma_semaphore, #tpu.memory_space<semaphore_mem>> -> memref<!tpu.dma_semaphore, #tpu.memory_space<semaphore_mem>>
      tpu.enqueue_indirect_dma source(%dma_start3A_79 : memref<1000000x32xf32, #tpu.memory_space<hbm>>) target(%dma_start3A_73 : memref<128x32xf32, #tpu.memory_space<vmem>>) offsets(%dma_start3A_76 : memref<128xi32, #tpu.memory_space<vmem>>) semaphore(%dma_start3A_81 : memref<!tpu.dma_semaphore, #tpu.memory_space<semaphore_mem>>)
      %add3A_82 = arith.constant 2 : i32
      %add3A_83 = arith.addi %mul3A_54, %add3A_82 : i32
      %dma_start3A_84 = arith.constant 256 : i32
      %dma_start3A_85 = arith.constant 0 : i32
      %dma_start3A_86 = tpu.memref_slice %arg9[%rem3A_50, %dma_start3A_84, %dma_start3A_85] : memref<2x1280x32xf32, #tpu.memory_space<vmem>> -> memref<1x128x32xf32, #tpu.memory_space<vmem>>
      %dma_start3A_87 = tpu.memref_squeeze %dma_start3A_86 : memref<1x128x32xf32, #tpu.memory_space<vmem>> -> memref<128x32xf32, #tpu.memory_space<vmem>>
      %dma_start3A_88 = arith.constant 0 : i32
      %dma_start3A_89 = tpu.memref_slice %arg8[%add3A_83, %dma_start3A_88] : memref<50x128xi32, #tpu.memory_space<vmem>> -> memref<1x128xi32, #tpu.memory_space<vmem>>
      %dma_start3A_90 = tpu.memref_squeeze %dma_start3A_89 : memref<1x128xi32, #tpu.memory_space<vmem>> -> memref<128xi32, #tpu.memory_space<vmem>>
      %dma_start3A_91 = arith.constant 0 : i32
      %dma_start3A_92 = arith.constant 0 : i32
      %dma_start3A_93 = tpu.memref_slice %arg4[%dma_start3A_91, %dma_start3A_92] : memref<1000000x32xf32, #tpu.memory_space<hbm>> -> memref<1000000x32xf32, #tpu.memory_space<hbm>>
      %dma_start3A_94 = tpu.memref_slice %arg10[%rem3A_50] : memref<2x!tpu.dma_semaphore, #tpu.memory_space<semaphore_mem>> -> memref<1x!tpu.dma_semaphore, #tpu.memory_space<semaphore_mem>>
      %dma_start3A_95 = tpu.memref_squeeze %dma_start3A_94 : memref<1x!tpu.dma_semaphore, #tpu.memory_space<semaphore_mem>> -> memref<!tpu.dma_semaphore, #tpu.memory_space<semaphore_mem>>
      tpu.enqueue_indirect_dma source(%dma_start3A_93 : memref<1000000x32xf32, #tpu.memory_space<hbm>>) target(%dma_start3A_87 : memref<128x32xf32, #tpu.memory_space<vmem>>) offsets(%dma_start3A_90 : memref<128xi32, #tpu.memory_space<vmem>>) semaphore(%dma_start3A_95 : memref<!tpu.dma_semaphore, #tpu.memory_space<semaphore_mem>>)
      %add3A_96 = arith.constant 3 : i32
      %add3A_97 = arith.addi %mul3A_54, %add3A_96 : i32
      %dma_start3A_98 = arith.constant 384 : i32
      %dma_start3A_99 = arith.constant 0 : i32
      %dma_start3A_100 = tpu.memref_slice %arg9[%rem3A_50, %dma_start3A_98, %dma_start3A_99] : memref<2x1280x32xf32, #tpu.memory_space<vmem>> -> memref<1x128x32xf32, #tpu.memory_space<vmem>>
      %dma_start3A_101 = tpu.memref_squeeze %dma_start3A_100 : memref<1x128x32xf32, #tpu.memory_space<vmem>> -> memref<128x32xf32, #tpu.memory_space<vmem>>
      %dma_start3A_102 = arith.constant 0 : i32
      %dma_start3A_103 = tpu.memref_slice %arg8[%add3A_97, %dma_start3A_102] : memref<50x128xi32, #tpu.memory_space<vmem>> -> memref<1x128xi32, #tpu.memory_space<vmem>>
      %dma_start3A_104 = tpu.memref_squeeze %dma_start3A_103 : memref<1x128xi32, #tpu.memory_space<vmem>> -> memref<128xi32, #tpu.memory_space<vmem>>
      %dma_start3A_105 = arith.constant 0 : i32
      %dma_start3A_106 = arith.constant 0 : i32
      %dma_start3A_107 = tpu.memref_slice %arg4[%dma_start3A_105, %dma_start3A_106] : memref<1000000x32xf32, #tpu.memory_space<hbm>> -> memref<1000000x32xf32, #tpu.memory_space<hbm>>
      %dma_start3A_108 = tpu.memref_slice %arg10[%rem3A_50] : memref<2x!tpu.dma_semaphore, #tpu.memory_space<semaphore_mem>> -> memref<1x!tpu.dma_semaphore, #tpu.memory_space<semaphore_mem>>
      %dma_start3A_109 = tpu.memref_squeeze %dma_start3A_108 : memref<1x!tpu.dma_semaphore, #tpu.memory_space<semaphore_mem>> -> memref<!tpu.dma_semaphore, #tpu.memory_space<semaphore_mem>>
      tpu.enqueue_indirect_dma source(%dma_start3A_107 : memref<1000000x32xf32, #tpu.memory_space<hbm>>) target(%dma_start3A_101 : memref<128x32xf32, #tpu.memory_space<vmem>>) offsets(%dma_start3A_104 : memref<128xi32, #tpu.memory_space<vmem>>) semaphore(%dma_start3A_109 : memref<!tpu.dma_semaphore, #tpu.memory_space<semaphore_mem>>)
      %add3A_110 = arith.constant 4 : i32
      %add3A_111 = arith.addi %mul3A_54, %add3A_110 : i32
      %dma_start3A_112 = arith.constant 512 : i32
      %dma_start3A_113 = arith.constant 0 : i32
      %dma_start3A_114 = tpu.memref_slice %arg9[%rem3A_50, %dma_start3A_112, %dma_start3A_113] : memref<2x1280x32xf32, #tpu.memory_space<vmem>> -> memref<1x128x32xf32, #tpu.memory_space<vmem>>
      %dma_start3A_115 = tpu.memref_squeeze %dma_start3A_114 : memref<1x128x32xf32, #tpu.memory_space<vmem>> -> memref<128x32xf32, #tpu.memory_space<vmem>>
      %dma_start3A_116 = arith.constant 0 : i32
      %dma_start3A_117 = tpu.memref_slice %arg8[%add3A_111, %dma_start3A_116] : memref<50x128xi32, #tpu.memory_space<vmem>> -> memref<1x128xi32, #tpu.memory_space<vmem>>
      %dma_start3A_118 = tpu.memref_squeeze %dma_start3A_117 : memref<1x128xi32, #tpu.memory_space<vmem>> -> memref<128xi32, #tpu.memory_space<vmem>>
      %dma_start3A_119 = arith.constant 0 : i32
      %dma_start3A_120 = arith.constant 0 : i32
      %dma_start3A_121 = tpu.memref_slice %arg4[%dma_start3A_119, %dma_start3A_120] : memref<1000000x32xf32, #tpu.memory_space<hbm>> -> memref<1000000x32xf32, #tpu.memory_space<hbm>>
      %dma_start3A_122 = tpu.memref_slice %arg10[%rem3A_50] : memref<2x!tpu.dma_semaphore, #tpu.memory_space<semaphore_mem>> -> memref<1x!tpu.dma_semaphore, #tpu.memory_space<semaphore_mem>>
      %dma_start3A_123 = tpu.memref_squeeze %dma_start3A_122 : memref<1x!tpu.dma_semaphore, #tpu.memory_space<semaphore_mem>> -> memref<!tpu.dma_semaphore, #tpu.memory_space<semaphore_mem>>
      tpu.enqueue_indirect_dma source(%dma_start3A_121 : memref<1000000x32xf32, #tpu.memory_space<hbm>>) target(%dma_start3A_115 : memref<128x32xf32, #tpu.memory_space<vmem>>) offsets(%dma_start3A_118 : memref<128xi32, #tpu.memory_space<vmem>>) semaphore(%dma_start3A_123 : memref<!tpu.dma_semaphore, #tpu.memory_space<semaphore_mem>>)
      %add3A_124 = arith.constant 5 : i32
      %add3A_125 = arith.addi %mul3A_54, %add3A_124 : i32
      %dma_start3A_126 = arith.constant 640 : i32
      %dma_start3A_127 = arith.constant 0 : i32
      %dma_start3A_128 = tpu.memref_slice %arg9[%rem3A_50, %dma_start3A_126, %dma_start3A_127] : memref<2x1280x32xf32, #tpu.memory_space<vmem>> -> memref<1x128x32xf32, #tpu.memory_space<vmem>>
      %dma_start3A_129 = tpu.memref_squeeze %dma_start3A_128 : memref<1x128x32xf32, #tpu.memory_space<vmem>> -> memref<128x32xf32, #tpu.memory_space<vmem>>
      %dma_start3A_130 = arith.constant 0 : i32
      %dma_start3A_131 = tpu.memref_slice %arg8[%add3A_125, %dma_start3A_130] : memref<50x128xi32, #tpu.memory_space<vmem>> -> memref<1x128xi32, #tpu.memory_space<vmem>>
      %dma_start3A_132 = tpu.memref_squeeze %dma_start3A_131 : memref<1x128xi32, #tpu.memory_space<vmem>> -> memref<128xi32, #tpu.memory_space<vmem>>
      %dma_start3A_133 = arith.constant 0 : i32
      %dma_start3A_134 = arith.constant 0 : i32
      %dma_start3A_135 = tpu.memref_slice %arg4[%dma_start3A_133, %dma_start3A_134] : memref<1000000x32xf32, #tpu.memory_space<hbm>> -> memref<1000000x32xf32, #tpu.memory_space<hbm>>
      %dma_start3A_136 = tpu.memref_slice %arg10[%rem3A_50] : memref<2x!tpu.dma_semaphore, #tpu.memory_space<semaphore_mem>> -> memref<1x!tpu.dma_semaphore, #tpu.memory_space<semaphore_mem>>
      %dma_start3A_137 = tpu.memref_squeeze %dma_start3A_136 : memref<1x!tpu.dma_semaphore, #tpu.memory_space<semaphore_mem>> -> memref<!tpu.dma_semaphore, #tpu.memory_space<semaphore_mem>>
      tpu.enqueue_indirect_dma source(%dma_start3A_135 : memref<1000000x32xf32, #tpu.memory_space<hbm>>) target(%dma_start3A_129 : memref<128x32xf32, #tpu.memory_space<vmem>>) offsets(%dma_start3A_132 : memref<128xi32, #tpu.memory_space<vmem>>) semaphore(%dma_start3A_137 : memref<!tpu.dma_semaphore, #tpu.memory_space<semaphore_mem>>)
      %add3A_138 = arith.constant 6 : i32
      %add3A_139 = arith.addi %mul3A_54, %add3A_138 : i32
      %dma_start3A_140 = arith.constant 768 : i32
      %dma_start3A_141 = arith.constant 0 : i32
      %dma_start3A_142 = tpu.memref_slice %arg9[%rem3A_50, %dma_start3A_140, %dma_start3A_141] : memref<2x1280x32xf32, #tpu.memory_space<vmem>> -> memref<1x128x32xf32, #tpu.memory_space<vmem>>
      %dma_start3A_143 = tpu.memref_squeeze %dma_start3A_142 : memref<1x128x32xf32, #tpu.memory_space<vmem>> -> memref<128x32xf32, #tpu.memory_space<vmem>>
      %dma_start3A_144 = arith.constant 0 : i32
      %dma_start3A_145 = tpu.memref_slice %arg8[%add3A_139, %dma_start3A_144] : memref<50x128xi32, #tpu.memory_space<vmem>> -> memref<1x128xi32, #tpu.memory_space<vmem>>
      %dma_start3A_146 = tpu.memref_squeeze %dma_start3A_145 : memref<1x128xi32, #tpu.memory_space<vmem>> -> memref<128xi32, #tpu.memory_space<vmem>>
      %dma_start3A_147 = arith.constant 0 : i32
      %dma_start3A_148 = arith.constant 0 : i32
      %dma_start3A_149 = tpu.memref_slice %arg4[%dma_start3A_147, %dma_start3A_148] : memref<1000000x32xf32, #tpu.memory_space<hbm>> -> memref<1000000x32xf32, #tpu.memory_space<hbm>>
      %dma_start3A_150 = tpu.memref_slice %arg10[%rem3A_50] : memref<2x!tpu.dma_semaphore, #tpu.memory_space<semaphore_mem>> -> memref<1x!tpu.dma_semaphore, #tpu.memory_space<semaphore_mem>>
      %dma_start3A_151 = tpu.memref_squeeze %dma_start3A_150 : memref<1x!tpu.dma_semaphore, #tpu.memory_space<semaphore_mem>> -> memref<!tpu.dma_semaphore, #tpu.memory_space<semaphore_mem>>
      tpu.enqueue_indirect_dma source(%dma_start3A_149 : memref<1000000x32xf32, #tpu.memory_space<hbm>>) target(%dma_start3A_143 : memref<128x32xf32, #tpu.memory_space<vmem>>) offsets(%dma_start3A_146 : memref<128xi32, #tpu.memory_space<vmem>>) semaphore(%dma_start3A_151 : memref<!tpu.dma_semaphore, #tpu.memory_space<semaphore_mem>>)
      %add3A_152 = arith.constant 7 : i32
      %add3A_153 = arith.addi %mul3A_54, %add3A_152 : i32
      %dma_start3A_154 = arith.constant 896 : i32
      %dma_start3A_155 = arith.constant 0 : i32
      %dma_start3A_156 = tpu.memref_slice %arg9[%rem3A_50, %dma_start3A_154, %dma_start3A_155] : memref<2x1280x32xf32, #tpu.memory_space<vmem>> -> memref<1x128x32xf32, #tpu.memory_space<vmem>>
      %dma_start3A_157 = tpu.memref_squeeze %dma_start3A_156 : memref<1x128x32xf32, #tpu.memory_space<vmem>> -> memref<128x32xf32, #tpu.memory_space<vmem>>
      %dma_start3A_158 = arith.constant 0 : i32
      %dma_start3A_159 = tpu.memref_slice %arg8[%add3A_153, %dma_start3A_158] : memref<50x128xi32, #tpu.memory_space<vmem>> -> memref<1x128xi32, #tpu.memory_space<vmem>>
      %dma_start3A_160 = tpu.memref_squeeze %dma_start3A_159 : memref<1x128xi32, #tpu.memory_space<vmem>> -> memref<128xi32, #tpu.memory_space<vmem>>
      %dma_start3A_161 = arith.constant 0 : i32
      %dma_start3A_162 = arith.constant 0 : i32
      %dma_start3A_163 = tpu.memref_slice %arg4[%dma_start3A_161, %dma_start3A_162] : memref<1000000x32xf32, #tpu.memory_space<hbm>> -> memref<1000000x32xf32, #tpu.memory_space<hbm>>
      %dma_start3A_164 = tpu.memref_slice %arg10[%rem3A_50] : memref<2x!tpu.dma_semaphore, #tpu.memory_space<semaphore_mem>> -> memref<1x!tpu.dma_semaphore, #tpu.memory_space<semaphore_mem>>
      %dma_start3A_165 = tpu.memref_squeeze %dma_start3A_164 : memref<1x!tpu.dma_semaphore, #tpu.memory_space<semaphore_mem>> -> memref<!tpu.dma_semaphore, #tpu.memory_space<semaphore_mem>>
      tpu.enqueue_indirect_dma source(%dma_start3A_163 : memref<1000000x32xf32, #tpu.memory_space<hbm>>) target(%dma_start3A_157 : memref<128x32xf32, #tpu.memory_space<vmem>>) offsets(%dma_start3A_160 : memref<128xi32, #tpu.memory_space<vmem>>) semaphore(%dma_start3A_165 : memref<!tpu.dma_semaphore, #tpu.memory_space<semaphore_mem>>)
      %add3A_166 = arith.constant 8 : i32
      %add3A_167 = arith.addi %mul3A_54, %add3A_166 : i32
      %dma_start3A_168 = arith.constant 1024 : i32
      %dma_start3A_169 = arith.constant 0 : i32
      %dma_start3A_170 = tpu.memref_slice %arg9[%rem3A_50, %dma_start3A_168, %dma_start3A_169] : memref<2x1280x32xf32, #tpu.memory_space<vmem>> -> memref<1x128x32xf32, #tpu.memory_space<vmem>>
      %dma_start3A_171 = tpu.memref_squeeze %dma_start3A_170 : memref<1x128x32xf32, #tpu.memory_space<vmem>> -> memref<128x32xf32, #tpu.memory_space<vmem>>
      %dma_start3A_172 = arith.constant 0 : i32
      %dma_start3A_173 = tpu.memref_slice %arg8[%add3A_167, %dma_start3A_172] : memref<50x128xi32, #tpu.memory_space<vmem>> -> memref<1x128xi32, #tpu.memory_space<vmem>>
      %dma_start3A_174 = tpu.memref_squeeze %dma_start3A_173 : memref<1x128xi32, #tpu.memory_space<vmem>> -> memref<128xi32, #tpu.memory_space<vmem>>
      %dma_start3A_175 = arith.constant 0 : i32
      %dma_start3A_176 = arith.constant 0 : i32
      %dma_start3A_177 = tpu.memref_slice %arg4[%dma_start3A_175, %dma_start3A_176] : memref<1000000x32xf32, #tpu.memory_space<hbm>> -> memref<1000000x32xf32, #tpu.memory_space<hbm>>
      %dma_start3A_178 = tpu.memref_slice %arg10[%rem3A_50] : memref<2x!tpu.dma_semaphore, #tpu.memory_space<semaphore_mem>> -> memref<1x!tpu.dma_semaphore, #tpu.memory_space<semaphore_mem>>
      %dma_start3A_179 = tpu.memref_squeeze %dma_start3A_178 : memref<1x!tpu.dma_semaphore, #tpu.memory_space<semaphore_mem>> -> memref<!tpu.dma_semaphore, #tpu.memory_space<semaphore_mem>>
      tpu.enqueue_indirect_dma source(%dma_start3A_177 : memref<1000000x32xf32, #tpu.memory_space<hbm>>) target(%dma_start3A_171 : memref<128x32xf32, #tpu.memory_space<vmem>>) offsets(%dma_start3A_174 : memref<128xi32, #tpu.memory_space<vmem>>) semaphore(%dma_start3A_179 : memref<!tpu.dma_semaphore, #tpu.memory_space<semaphore_mem>>)
      %add3A_180 = arith.constant 9 : i32
      %add3A_181 = arith.addi %mul3A_54, %add3A_180 : i32
      %dma_start3A_182 = arith.constant 1152 : i32
      %dma_start3A_183 = arith.constant 0 : i32
      %dma_start3A_184 = tpu.memref_slice %arg9[%rem3A_50, %dma_start3A_182, %dma_start3A_183] : memref<2x1280x32xf32, #tpu.memory_space<vmem>> -> memref<1x128x32xf32, #tpu.memory_space<vmem>>
      %dma_start3A_185 = tpu.memref_squeeze %dma_start3A_184 : memref<1x128x32xf32, #tpu.memory_space<vmem>> -> memref<128x32xf32, #tpu.memory_space<vmem>>
      %dma_start3A_186 = arith.constant 0 : i32
      %dma_start3A_187 = tpu.memref_slice %arg8[%add3A_181, %dma_start3A_186] : memref<50x128xi32, #tpu.memory_space<vmem>> -> memref<1x128xi32, #tpu.memory_space<vmem>>
      %dma_start3A_188 = tpu.memref_squeeze %dma_start3A_187 : memref<1x128xi32, #tpu.memory_space<vmem>> -> memref<128xi32, #tpu.memory_space<vmem>>
      %dma_start3A_189 = arith.constant 0 : i32
      %dma_start3A_190 = arith.constant 0 : i32
      %dma_start3A_191 = tpu.memref_slice %arg4[%dma_start3A_189, %dma_start3A_190] : memref<1000000x32xf32, #tpu.memory_space<hbm>> -> memref<1000000x32xf32, #tpu.memory_space<hbm>>
      %dma_start3A_192 = tpu.memref_slice %arg10[%rem3A_50] : memref<2x!tpu.dma_semaphore, #tpu.memory_space<semaphore_mem>> -> memref<1x!tpu.dma_semaphore, #tpu.memory_space<semaphore_mem>>
      %dma_start3A_193 = tpu.memref_squeeze %dma_start3A_192 : memref<1x!tpu.dma_semaphore, #tpu.memory_space<semaphore_mem>> -> memref<!tpu.dma_semaphore, #tpu.memory_space<semaphore_mem>>
      tpu.enqueue_indirect_dma source(%dma_start3A_191 : memref<1000000x32xf32, #tpu.memory_space<hbm>>) target(%dma_start3A_185 : memref<128x32xf32, #tpu.memory_space<vmem>>) offsets(%dma_start3A_188 : memref<128xi32, #tpu.memory_space<vmem>>) semaphore(%dma_start3A_193 : memref<!tpu.dma_semaphore, #tpu.memory_space<semaphore_mem>>)
      %dma_wait3A_194 = arith.constant 0 : i32
      %dma_wait3A_195 = arith.constant 0 : i32
      %dma_wait3A_196 = tpu.memref_slice %arg9[%rem3A_50, %dma_wait3A_194, %dma_wait3A_195] : memref<2x1280x32xf32, #tpu.memory_space<vmem>> -> memref<1x128x32xf32, #tpu.memory_space<vmem>>
      %dma_wait3A_197 = tpu.memref_squeeze %dma_wait3A_196 : memref<1x128x32xf32, #tpu.memory_space<vmem>> -> memref<128x32xf32, #tpu.memory_space<vmem>>
      %dma_wait3A_198 = arith.constant 0 : i32
      %dma_wait3A_199 = arith.constant 0 : i32
      %dma_wait3A_200 = tpu.memref_slice %arg4[%dma_wait3A_198, %dma_wait3A_199] : memref<1000000x32xf32, #tpu.memory_space<hbm>> -> memref<128x32xf32, #tpu.memory_space<hbm>>
      %dma_wait3A_201 = tpu.memref_slice %arg10[%rem3A_50] : memref<2x!tpu.dma_semaphore, #tpu.memory_space<semaphore_mem>> -> memref<1x!tpu.dma_semaphore, #tpu.memory_space<semaphore_mem>>
      %dma_wait3A_202 = tpu.memref_squeeze %dma_wait3A_201 : memref<1x!tpu.dma_semaphore, #tpu.memory_space<semaphore_mem>> -> memref<!tpu.dma_semaphore, #tpu.memory_space<semaphore_mem>>
      %dma_wait3A_203 = arith.constant 0 : i32
      %dma_wait3A_204 = arith.constant 0 : i32
      %dma_wait3A_205 = tpu.memref_slice %arg9[%rem3A_50, %dma_wait3A_203, %dma_wait3A_204] : memref<2x1280x32xf32, #tpu.memory_space<vmem>> -> memref<1x128x32xf32, #tpu.memory_space<vmem>>
      %dma_wait3A_206 = tpu.memref_squeeze %dma_wait3A_205 : memref<1x128x32xf32, #tpu.memory_space<vmem>> -> memref<128x32xf32, #tpu.memory_space<vmem>>
      %dma_wait3A_207 = arith.constant 0 : i32
      %dma_wait3A_208 = arith.constant 0 : i32
      %dma_wait3A_209 = tpu.memref_slice %arg4[%dma_wait3A_207, %dma_wait3A_208] : memref<1000000x32xf32, #tpu.memory_space<hbm>> -> memref<128x32xf32, #tpu.memory_space<hbm>>
      tpu.wait_dma2 semaphore(%dma_wait3A_202 : memref<!tpu.dma_semaphore, #tpu.memory_space<semaphore_mem>>) src(%dma_wait3A_209 : memref<128x32xf32, #tpu.memory_space<hbm>>) dst(%dma_wait3A_206 : memref<128x32xf32, #tpu.memory_space<vmem>>)
      %dma_wait3A_210 = arith.constant 128 : i32
      %dma_wait3A_211 = arith.constant 0 : i32
      %dma_wait3A_212 = tpu.memref_slice %arg9[%rem3A_50, %dma_wait3A_210, %dma_wait3A_211] : memref<2x1280x32xf32, #tpu.memory_space<vmem>> -> memref<1x128x32xf32, #tpu.memory_space<vmem>>
      %dma_wait3A_213 = tpu.memref_squeeze %dma_wait3A_212 : memref<1x128x32xf32, #tpu.memory_space<vmem>> -> memref<128x32xf32, #tpu.memory_space<vmem>>
      %dma_wait3A_214 = arith.constant 0 : i32
      %dma_wait3A_215 = arith.constant 0 : i32
      %dma_wait3A_216 = tpu.memref_slice %arg4[%dma_wait3A_214, %dma_wait3A_215] : memref<1000000x32xf32, #tpu.memory_space<hbm>> -> memref<128x32xf32, #tpu.memory_space<hbm>>
      %dma_wait3A_217 = tpu.memref_slice %arg10[%rem3A_50] : memref<2x!tpu.dma_semaphore, #tpu.memory_space<semaphore_mem>> -> memref<1x!tpu.dma_semaphore, #tpu.memory_space<semaphore_mem>>
      %dma_wait3A_218 = tpu.memref_squeeze %dma_wait3A_217 : memref<1x!tpu.dma_semaphore, #tpu.memory_space<semaphore_mem>> -> memref<!tpu.dma_semaphore, #tpu.memory_space<semaphore_mem>>
      %dma_wait3A_219 = arith.constant 128 : i32
      %dma_wait3A_220 = arith.constant 0 : i32
      %dma_wait3A_221 = tpu.memref_slice %arg9[%rem3A_50, %dma_wait3A_219, %dma_wait3A_220] : memref<2x1280x32xf32, #tpu.memory_space<vmem>> -> memref<1x128x32xf32, #tpu.memory_space<vmem>>
      %dma_wait3A_222 = tpu.memref_squeeze %dma_wait3A_221 : memref<1x128x32xf32, #tpu.memory_space<vmem>> -> memref<128x32xf32, #tpu.memory_space<vmem>>
      %dma_wait3A_223 = arith.constant 0 : i32
      %dma_wait3A_224 = arith.constant 0 : i32
      %dma_wait3A_225 = tpu.memref_slice %arg4[%dma_wait3A_223, %dma_wait3A_224] : memref<1000000x32xf32, #tpu.memory_space<hbm>> -> memref<128x32xf32, #tpu.memory_space<hbm>>
      tpu.wait_dma2 semaphore(%dma_wait3A_218 : memref<!tpu.dma_semaphore, #tpu.memory_space<semaphore_mem>>) src(%dma_wait3A_225 : memref<128x32xf32, #tpu.memory_space<hbm>>) dst(%dma_wait3A_222 : memref<128x32xf32, #tpu.memory_space<vmem>>)
      %dma_wait3A_226 = arith.constant 256 : i32
      %dma_wait3A_227 = arith.constant 0 : i32
      %dma_wait3A_228 = tpu.memref_slice %arg9[%rem3A_50, %dma_wait3A_226, %dma_wait3A_227] : memref<2x1280x32xf32, #tpu.memory_space<vmem>> -> memref<1x128x32xf32, #tpu.memory_space<vmem>>
      %dma_wait3A_229 = tpu.memref_squeeze %dma_wait3A_228 : memref<1x128x32xf32, #tpu.memory_space<vmem>> -> memref<128x32xf32, #tpu.memory_space<vmem>>
      %dma_wait3A_230 = arith.constant 0 : i32
      %dma_wait3A_231 = arith.constant 0 : i32
      %dma_wait3A_232 = tpu.memref_slice %arg4[%dma_wait3A_230, %dma_wait3A_231] : memref<1000000x32xf32, #tpu.memory_space<hbm>> -> memref<128x32xf32, #tpu.memory_space<hbm>>
      %dma_wait3A_233 = tpu.memref_slice %arg10[%rem3A_50] : memref<2x!tpu.dma_semaphore, #tpu.memory_space<semaphore_mem>> -> memref<1x!tpu.dma_semaphore, #tpu.memory_space<semaphore_mem>>
      %dma_wait3A_234 = tpu.memref_squeeze %dma_wait3A_233 : memref<1x!tpu.dma_semaphore, #tpu.memory_space<semaphore_mem>> -> memref<!tpu.dma_semaphore, #tpu.memory_space<semaphore_mem>>
      %dma_wait3A_235 = arith.constant 256 : i32
      %dma_wait3A_236 = arith.constant 0 : i32
      %dma_wait3A_237 = tpu.memref_slice %arg9[%rem3A_50, %dma_wait3A_235, %dma_wait3A_236] : memref<2x1280x32xf32, #tpu.memory_space<vmem>> -> memref<1x128x32xf32, #tpu.memory_space<vmem>>
      %dma_wait3A_238 = tpu.memref_squeeze %dma_wait3A_237 : memref<1x128x32xf32, #tpu.memory_space<vmem>> -> memref<128x32xf32, #tpu.memory_space<vmem>>
      %dma_wait3A_239 = arith.constant 0 : i32
      %dma_wait3A_240 = arith.constant 0 : i32
      %dma_wait3A_241 = tpu.memref_slice %arg4[%dma_wait3A_239, %dma_wait3A_240] : memref<1000000x32xf32, #tpu.memory_space<hbm>> -> memref<128x32xf32, #tpu.memory_space<hbm>>
      tpu.wait_dma2 semaphore(%dma_wait3A_234 : memref<!tpu.dma_semaphore, #tpu.memory_space<semaphore_mem>>) src(%dma_wait3A_241 : memref<128x32xf32, #tpu.memory_space<hbm>>) dst(%dma_wait3A_238 : memref<128x32xf32, #tpu.memory_space<vmem>>)
      %dma_wait3A_242 = arith.constant 384 : i32
      %dma_wait3A_243 = arith.constant 0 : i32
      %dma_wait3A_244 = tpu.memref_slice %arg9[%rem3A_50, %dma_wait3A_242, %dma_wait3A_243] : memref<2x1280x32xf32, #tpu.memory_space<vmem>> -> memref<1x128x32xf32, #tpu.memory_space<vmem>>
      %dma_wait3A_245 = tpu.memref_squeeze %dma_wait3A_244 : memref<1x128x32xf32, #tpu.memory_space<vmem>> -> memref<128x32xf32, #tpu.memory_space<vmem>>
      %dma_wait3A_246 = arith.constant 0 : i32
      %dma_wait3A_247 = arith.constant 0 : i32
      %dma_wait3A_248 = tpu.memref_slice %arg4[%dma_wait3A_246, %dma_wait3A_247] : memref<1000000x32xf32, #tpu.memory_space<hbm>> -> memref<128x32xf32, #tpu.memory_space<hbm>>
      %dma_wait3A_249 = tpu.memref_slice %arg10[%rem3A_50] : memref<2x!tpu.dma_semaphore, #tpu.memory_space<semaphore_mem>> -> memref<1x!tpu.dma_semaphore, #tpu.memory_space<semaphore_mem>>
      %dma_wait3A_250 = tpu.memref_squeeze %dma_wait3A_249 : memref<1x!tpu.dma_semaphore, #tpu.memory_space<semaphore_mem>> -> memref<!tpu.dma_semaphore, #tpu.memory_space<semaphore_mem>>
      %dma_wait3A_251 = arith.constant 384 : i32
      %dma_wait3A_252 = arith.constant 0 : i32
      %dma_wait3A_253 = tpu.memref_slice %arg9[%rem3A_50, %dma_wait3A_251, %dma_wait3A_252] : memref<2x1280x32xf32, #tpu.memory_space<vmem>> -> memref<1x128x32xf32, #tpu.memory_space<vmem>>
      %dma_wait3A_254 = tpu.memref_squeeze %dma_wait3A_253 : memref<1x128x32xf32, #tpu.memory_space<vmem>> -> memref<128x32xf32, #tpu.memory_space<vmem>>
      %dma_wait3A_255 = arith.constant 0 : i32
      %dma_wait3A_256 = arith.constant 0 : i32
      %dma_wait3A_257 = tpu.memref_slice %arg4[%dma_wait3A_255, %dma_wait3A_256] : memref<1000000x32xf32, #tpu.memory_space<hbm>> -> memref<128x32xf32, #tpu.memory_space<hbm>>
      tpu.wait_dma2 semaphore(%dma_wait3A_250 : memref<!tpu.dma_semaphore, #tpu.memory_space<semaphore_mem>>) src(%dma_wait3A_257 : memref<128x32xf32, #tpu.memory_space<hbm>>) dst(%dma_wait3A_254 : memref<128x32xf32, #tpu.memory_space<vmem>>)
      %dma_wait3A_258 = arith.constant 512 : i32
      %dma_wait3A_259 = arith.constant 0 : i32
      %dma_wait3A_260 = tpu.memref_slice %arg9[%rem3A_50, %dma_wait3A_258, %dma_wait3A_259] : memref<2x1280x32xf32, #tpu.memory_space<vmem>> -> memref<1x128x32xf32, #tpu.memory_space<vmem>>
      %dma_wait3A_261 = tpu.memref_squeeze %dma_wait3A_260 : memref<1x128x32xf32, #tpu.memory_space<vmem>> -> memref<128x32xf32, #tpu.memory_space<vmem>>
      %dma_wait3A_262 = arith.constant 0 : i32
      %dma_wait3A_263 = arith.constant 0 : i32
      %dma_wait3A_264 = tpu.memref_slice %arg4[%dma_wait3A_262, %dma_wait3A_263] : memref<1000000x32xf32, #tpu.memory_space<hbm>> -> memref<128x32xf32, #tpu.memory_space<hbm>>
      %dma_wait3A_265 = tpu.memref_slice %arg10[%rem3A_50] : memref<2x!tpu.dma_semaphore, #tpu.memory_space<semaphore_mem>> -> memref<1x!tpu.dma_semaphore, #tpu.memory_space<semaphore_mem>>
      %dma_wait3A_266 = tpu.memref_squeeze %dma_wait3A_265 : memref<1x!tpu.dma_semaphore, #tpu.memory_space<semaphore_mem>> -> memref<!tpu.dma_semaphore, #tpu.memory_space<semaphore_mem>>
      %dma_wait3A_267 = arith.constant 512 : i32
      %dma_wait3A_268 = arith.constant 0 : i32
      %dma_wait3A_269 = tpu.memref_slice %arg9[%rem3A_50, %dma_wait3A_267, %dma_wait3A_268] : memref<2x1280x32xf32, #tpu.memory_space<vmem>> -> memref<1x128x32xf32, #tpu.memory_space<vmem>>
      %dma_wait3A_270 = tpu.memref_squeeze %dma_wait3A_269 : memref<1x128x32xf32, #tpu.memory_space<vmem>> -> memref<128x32xf32, #tpu.memory_space<vmem>>
      %dma_wait3A_271 = arith.constant 0 : i32
      %dma_wait3A_272 = arith.constant 0 : i32
      %dma_wait3A_273 = tpu.memref_slice %arg4[%dma_wait3A_271, %dma_wait3A_272] : memref<1000000x32xf32, #tpu.memory_space<hbm>> -> memref<128x32xf32, #tpu.memory_space<hbm>>
      tpu.wait_dma2 semaphore(%dma_wait3A_266 : memref<!tpu.dma_semaphore, #tpu.memory_space<semaphore_mem>>) src(%dma_wait3A_273 : memref<128x32xf32, #tpu.memory_space<hbm>>) dst(%dma_wait3A_270 : memref<128x32xf32, #tpu.memory_space<vmem>>)
      %dma_wait3A_274 = arith.constant 640 : i32
      %dma_wait3A_275 = arith.constant 0 : i32
      %dma_wait3A_276 = tpu.memref_slice %arg9[%rem3A_50, %dma_wait3A_274, %dma_wait3A_275] : memref<2x1280x32xf32, #tpu.memory_space<vmem>> -> memref<1x128x32xf32, #tpu.memory_space<vmem>>
      %dma_wait3A_277 = tpu.memref_squeeze %dma_wait3A_276 : memref<1x128x32xf32, #tpu.memory_space<vmem>> -> memref<128x32xf32, #tpu.memory_space<vmem>>
      %dma_wait3A_278 = arith.constant 0 : i32
      %dma_wait3A_279 = arith.constant 0 : i32
      %dma_wait3A_280 = tpu.memref_slice %arg4[%dma_wait3A_278, %dma_wait3A_279] : memref<1000000x32xf32, #tpu.memory_space<hbm>> -> memref<128x32xf32, #tpu.memory_space<hbm>>
      %dma_wait3A_281 = tpu.memref_slice %arg10[%rem3A_50] : memref<2x!tpu.dma_semaphore, #tpu.memory_space<semaphore_mem>> -> memref<1x!tpu.dma_semaphore, #tpu.memory_space<semaphore_mem>>
      %dma_wait3A_282 = tpu.memref_squeeze %dma_wait3A_281 : memref<1x!tpu.dma_semaphore, #tpu.memory_space<semaphore_mem>> -> memref<!tpu.dma_semaphore, #tpu.memory_space<semaphore_mem>>
      %dma_wait3A_283 = arith.constant 640 : i32
      %dma_wait3A_284 = arith.constant 0 : i32
      %dma_wait3A_285 = tpu.memref_slice %arg9[%rem3A_50, %dma_wait3A_283, %dma_wait3A_284] : memref<2x1280x32xf32, #tpu.memory_space<vmem>> -> memref<1x128x32xf32, #tpu.memory_space<vmem>>
      %dma_wait3A_286 = tpu.memref_squeeze %dma_wait3A_285 : memref<1x128x32xf32, #tpu.memory_space<vmem>> -> memref<128x32xf32, #tpu.memory_space<vmem>>
      %dma_wait3A_287 = arith.constant 0 : i32
      %dma_wait3A_288 = arith.constant 0 : i32
      %dma_wait3A_289 = tpu.memref_slice %arg4[%dma_wait3A_287, %dma_wait3A_288] : memref<1000000x32xf32, #tpu.memory_space<hbm>> -> memref<128x32xf32, #tpu.memory_space<hbm>>
      tpu.wait_dma2 semaphore(%dma_wait3A_282 : memref<!tpu.dma_semaphore, #tpu.memory_space<semaphore_mem>>) src(%dma_wait3A_289 : memref<128x32xf32, #tpu.memory_space<hbm>>) dst(%dma_wait3A_286 : memref<128x32xf32, #tpu.memory_space<vmem>>)
      %dma_wait3A_290 = arith.constant 768 : i32
      %dma_wait3A_291 = arith.constant 0 : i32
      %dma_wait3A_292 = tpu.memref_slice %arg9[%rem3A_50, %dma_wait3A_290, %dma_wait3A_291] : memref<2x1280x32xf32, #tpu.memory_space<vmem>> -> memref<1x128x32xf32, #tpu.memory_space<vmem>>
      %dma_wait3A_293 = tpu.memref_squeeze %dma_wait3A_292 : memref<1x128x32xf32, #tpu.memory_space<vmem>> -> memref<128x32xf32, #tpu.memory_space<vmem>>
      %dma_wait3A_294 = arith.constant 0 : i32
      %dma_wait3A_295 = arith.constant 0 : i32
      %dma_wait3A_296 = tpu.memref_slice %arg4[%dma_wait3A_294, %dma_wait3A_295] : memref<1000000x32xf32, #tpu.memory_space<hbm>> -> memref<128x32xf32, #tpu.memory_space<hbm>>
      %dma_wait3A_297 = tpu.memref_slice %arg10[%rem3A_50] : memref<2x!tpu.dma_semaphore, #tpu.memory_space<semaphore_mem>> -> memref<1x!tpu.dma_semaphore, #tpu.memory_space<semaphore_mem>>
      %dma_wait3A_298 = tpu.memref_squeeze %dma_wait3A_297 : memref<1x!tpu.dma_semaphore, #tpu.memory_space<semaphore_mem>> -> memref<!tpu.dma_semaphore, #tpu.memory_space<semaphore_mem>>
      %dma_wait3A_299 = arith.constant 768 : i32
      %dma_wait3A_300 = arith.constant 0 : i32
      %dma_wait3A_301 = tpu.memref_slice %arg9[%rem3A_50, %dma_wait3A_299, %dma_wait3A_300] : memref<2x1280x32xf32, #tpu.memory_space<vmem>> -> memref<1x128x32xf32, #tpu.memory_space<vmem>>
      %dma_wait3A_302 = tpu.memref_squeeze %dma_wait3A_301 : memref<1x128x32xf32, #tpu.memory_space<vmem>> -> memref<128x32xf32, #tpu.memory_space<vmem>>
      %dma_wait3A_303 = arith.constant 0 : i32
      %dma_wait3A_304 = arith.constant 0 : i32
      %dma_wait3A_305 = tpu.memref_slice %arg4[%dma_wait3A_303, %dma_wait3A_304] : memref<1000000x32xf32, #tpu.memory_space<hbm>> -> memref<128x32xf32, #tpu.memory_space<hbm>>
      tpu.wait_dma2 semaphore(%dma_wait3A_298 : memref<!tpu.dma_semaphore, #tpu.memory_space<semaphore_mem>>) src(%dma_wait3A_305 : memref<128x32xf32, #tpu.memory_space<hbm>>) dst(%dma_wait3A_302 : memref<128x32xf32, #tpu.memory_space<vmem>>)
      %dma_wait3A_306 = arith.constant 896 : i32
      %dma_wait3A_307 = arith.constant 0 : i32
      %dma_wait3A_308 = tpu.memref_slice %arg9[%rem3A_50, %dma_wait3A_306, %dma_wait3A_307] : memref<2x1280x32xf32, #tpu.memory_space<vmem>> -> memref<1x128x32xf32, #tpu.memory_space<vmem>>
      %dma_wait3A_309 = tpu.memref_squeeze %dma_wait3A_308 : memref<1x128x32xf32, #tpu.memory_space<vmem>> -> memref<128x32xf32, #tpu.memory_space<vmem>>
      %dma_wait3A_310 = arith.constant 0 : i32
      %dma_wait3A_311 = arith.constant 0 : i32
      %dma_wait3A_312 = tpu.memref_slice %arg4[%dma_wait3A_310, %dma_wait3A_311] : memref<1000000x32xf32, #tpu.memory_space<hbm>> -> memref<128x32xf32, #tpu.memory_space<hbm>>
      %dma_wait3A_313 = tpu.memref_slice %arg10[%rem3A_50] : memref<2x!tpu.dma_semaphore, #tpu.memory_space<semaphore_mem>> -> memref<1x!tpu.dma_semaphore, #tpu.memory_space<semaphore_mem>>
      %dma_wait3A_314 = tpu.memref_squeeze %dma_wait3A_313 : memref<1x!tpu.dma_semaphore, #tpu.memory_space<semaphore_mem>> -> memref<!tpu.dma_semaphore, #tpu.memory_space<semaphore_mem>>
      %dma_wait3A_315 = arith.constant 896 : i32
      %dma_wait3A_316 = arith.constant 0 : i32
      %dma_wait3A_317 = tpu.memref_slice %arg9[%rem3A_50, %dma_wait3A_315, %dma_wait3A_316] : memref<2x1280x32xf32, #tpu.memory_space<vmem>> -> memref<1x128x32xf32, #tpu.memory_space<vmem>>
      %dma_wait3A_318 = tpu.memref_squeeze %dma_wait3A_317 : memref<1x128x32xf32, #tpu.memory_space<vmem>> -> memref<128x32xf32, #tpu.memory_space<vmem>>
      %dma_wait3A_319 = arith.constant 0 : i32
      %dma_wait3A_320 = arith.constant 0 : i32
      %dma_wait3A_321 = tpu.memref_slice %arg4[%dma_wait3A_319, %dma_wait3A_320] : memref<1000000x32xf32, #tpu.memory_space<hbm>> -> memref<128x32xf32, #tpu.memory_space<hbm>>
      tpu.wait_dma2 semaphore(%dma_wait3A_314 : memref<!tpu.dma_semaphore, #tpu.memory_space<semaphore_mem>>) src(%dma_wait3A_321 : memref<128x32xf32, #tpu.memory_space<hbm>>) dst(%dma_wait3A_318 : memref<128x32xf32, #tpu.memory_space<vmem>>)
      %dma_wait3A_322 = arith.constant 1024 : i32
      %dma_wait3A_323 = arith.constant 0 : i32
      %dma_wait3A_324 = tpu.memref_slice %arg9[%rem3A_50, %dma_wait3A_322, %dma_wait3A_323] : memref<2x1280x32xf32, #tpu.memory_space<vmem>> -> memref<1x128x32xf32, #tpu.memory_space<vmem>>
      %dma_wait3A_325 = tpu.memref_squeeze %dma_wait3A_324 : memref<1x128x32xf32, #tpu.memory_space<vmem>> -> memref<128x32xf32, #tpu.memory_space<vmem>>
      %dma_wait3A_326 = arith.constant 0 : i32
      %dma_wait3A_327 = arith.constant 0 : i32
      %dma_wait3A_328 = tpu.memref_slice %arg4[%dma_wait3A_326, %dma_wait3A_327] : memref<1000000x32xf32, #tpu.memory_space<hbm>> -> memref<128x32xf32, #tpu.memory_space<hbm>>
      %dma_wait3A_329 = tpu.memref_slice %arg10[%rem3A_50] : memref<2x!tpu.dma_semaphore, #tpu.memory_space<semaphore_mem>> -> memref<1x!tpu.dma_semaphore, #tpu.memory_space<semaphore_mem>>
      %dma_wait3A_330 = tpu.memref_squeeze %dma_wait3A_329 : memref<1x!tpu.dma_semaphore, #tpu.memory_space<semaphore_mem>> -> memref<!tpu.dma_semaphore, #tpu.memory_space<semaphore_mem>>
      %dma_wait3A_331 = arith.constant 1024 : i32
      %dma_wait3A_332 = arith.constant 0 : i32
      %dma_wait3A_333 = tpu.memref_slice %arg9[%rem3A_50, %dma_wait3A_331, %dma_wait3A_332] : memref<2x1280x32xf32, #tpu.memory_space<vmem>> -> memref<1x128x32xf32, #tpu.memory_space<vmem>>
      %dma_wait3A_334 = tpu.memref_squeeze %dma_wait3A_333 : memref<1x128x32xf32, #tpu.memory_space<vmem>> -> memref<128x32xf32, #tpu.memory_space<vmem>>
      %dma_wait3A_335 = arith.constant 0 : i32
      %dma_wait3A_336 = arith.constant 0 : i32
      %dma_wait3A_337 = tpu.memref_slice %arg4[%dma_wait3A_335, %dma_wait3A_336] : memref<1000000x32xf32, #tpu.memory_space<hbm>> -> memref<128x32xf32, #tpu.memory_space<hbm>>
      tpu.wait_dma2 semaphore(%dma_wait3A_330 : memref<!tpu.dma_semaphore, #tpu.memory_space<semaphore_mem>>) src(%dma_wait3A_337 : memref<128x32xf32, #tpu.memory_space<hbm>>) dst(%dma_wait3A_334 : memref<128x32xf32, #tpu.memory_space<vmem>>)
      %dma_wait3A_338 = arith.constant 1152 : i32
      %dma_wait3A_339 = arith.constant 0 : i32
      %dma_wait3A_340 = tpu.memref_slice %arg9[%rem3A_50, %dma_wait3A_338, %dma_wait3A_339] : memref<2x1280x32xf32, #tpu.memory_space<vmem>> -> memref<1x128x32xf32, #tpu.memory_space<vmem>>
      %dma_wait3A_341 = tpu.memref_squeeze %dma_wait3A_340 : memref<1x128x32xf32, #tpu.memory_space<vmem>> -> memref<128x32xf32, #tpu.memory_space<vmem>>
      %dma_wait3A_342 = arith.constant 0 : i32
      %dma_wait3A_343 = arith.constant 0 : i32
      %dma_wait3A_344 = tpu.memref_slice %arg4[%dma_wait3A_342, %dma_wait3A_343] : memref<1000000x32xf32, #tpu.memory_space<hbm>> -> memref<128x32xf32, #tpu.memory_space<hbm>>
      %dma_wait3A_345 = tpu.memref_slice %arg10[%rem3A_50] : memref<2x!tpu.dma_semaphore, #tpu.memory_space<semaphore_mem>> -> memref<1x!tpu.dma_semaphore, #tpu.memory_space<semaphore_mem>>
      %dma_wait3A_346 = tpu.memref_squeeze %dma_wait3A_345 : memref<1x!tpu.dma_semaphore, #tpu.memory_space<semaphore_mem>> -> memref<!tpu.dma_semaphore, #tpu.memory_space<semaphore_mem>>
      %dma_wait3A_347 = arith.constant 1152 : i32
      %dma_wait3A_348 = arith.constant 0 : i32
      %dma_wait3A_349 = tpu.memref_slice %arg9[%rem3A_50, %dma_wait3A_347, %dma_wait3A_348] : memref<2x1280x32xf32, #tpu.memory_space<vmem>> -> memref<1x128x32xf32, #tpu.memory_space<vmem>>
      %dma_wait3A_350 = tpu.memref_squeeze %dma_wait3A_349 : memref<1x128x32xf32, #tpu.memory_space<vmem>> -> memref<128x32xf32, #tpu.memory_space<vmem>>
      %dma_wait3A_351 = arith.constant 0 : i32
      %dma_wait3A_352 = arith.constant 0 : i32
      %dma_wait3A_353 = tpu.memref_slice %arg4[%dma_wait3A_351, %dma_wait3A_352] : memref<1000000x32xf32, #tpu.memory_space<hbm>> -> memref<128x32xf32, #tpu.memory_space<hbm>>
      tpu.wait_dma2 semaphore(%dma_wait3A_346 : memref<!tpu.dma_semaphore, #tpu.memory_space<semaphore_mem>>) src(%dma_wait3A_353 : memref<128x32xf32, #tpu.memory_space<hbm>>) dst(%dma_wait3A_350 : memref<128x32xf32, #tpu.memory_space<vmem>>)
      %mul3A_354 = arith.constant 128 : i32
      %mul3A_355 = arith.muli %mul3A_54, %mul3A_354 : i32
      %add3A_356 = arith.addi %mul3A_2, %mul3A_355 : i32
      %dma_start3A_357 = arith.constant 0 : i32
      %dma_start3A_358 = arith.constant 0 : i32
      %dma_start3A_359 = tpu.memref_slice %arg9[%rem3A_50, %dma_start3A_357, %dma_start3A_358] : memref<2x1280x32xf32, #tpu.memory_space<vmem>> -> memref<1x1280x32xf32, #tpu.memory_space<vmem>>
      %dma_start3A_360 = tpu.memref_squeeze %dma_start3A_359 : memref<1x1280x32xf32, #tpu.memory_space<vmem>> -> memref<1280x32xf32, #tpu.memory_space<vmem>>
      %dma_start3A_361 = arith.constant 0 : i32
      %dma_start3A_362 = tpu.memref_slice %arg5[%add3A_356, %dma_start3A_361] : memref<204800x32xf32, #tpu.memory_space<hbm>> -> memref<1280x32xf32, #tpu.memory_space<hbm>>
      %dma_start3A_363 = tpu.memref_slice %arg11[%rem3A_50] : memref<2x!tpu.dma_semaphore, #tpu.memory_space<semaphore_mem>> -> memref<1x!tpu.dma_semaphore, #tpu.memory_space<semaphore_mem>>
      %dma_start3A_364 = tpu.memref_squeeze %dma_start3A_363 : memref<1x!tpu.dma_semaphore, #tpu.memory_space<semaphore_mem>> -> memref<!tpu.dma_semaphore, #tpu.memory_space<semaphore_mem>>
      %dma_start3A_365 = arith.constant 0 : i32
      %dma_start3A_366 = tpu.memref_slice %arg5[%add3A_356, %dma_start3A_365] : memref<204800x32xf32, #tpu.memory_space<hbm>> -> memref<1280x32xf32, #tpu.memory_space<hbm>>
      %dma_start3A_367 = arith.constant 0 : i32
      %dma_start3A_368 = arith.constant 0 : i32
      %dma_start3A_369 = tpu.memref_slice %arg9[%rem3A_50, %dma_start3A_367, %dma_start3A_368] : memref<2x1280x32xf32, #tpu.memory_space<vmem>> -> memref<1x1280x32xf32, #tpu.memory_space<vmem>>
      %dma_start3A_370 = tpu.memref_squeeze %dma_start3A_369 : memref<1x1280x32xf32, #tpu.memory_space<vmem>> -> memref<1280x32xf32, #tpu.memory_space<vmem>>
      tpu.enqueue_dma source(%dma_start3A_370 : memref<1280x32xf32, #tpu.memory_space<vmem>>) target(%dma_start3A_366 : memref<1280x32xf32, #tpu.memory_space<hbm>>) target_semaphore(%dma_start3A_364 : memref<!tpu.dma_semaphore, #tpu.memory_space<semaphore_mem>>)
    }
    %scan3A_13 = arith.constant 5 : i32
    %dma_wait3A = arith.constant 0 : i32
    %dma_wait3A_14 = arith.constant 0 : i32
    %dma_wait3A_15 = arith.constant 0 : i32
    %dma_wait3A_16 = arith.constant 0 : i32
    %dma_wait3A_17 = tpu.memref_slice %arg9[%dma_wait3A, %dma_wait3A_15, %dma_wait3A_16] : memref<2x1280x32xf32, #tpu.memory_space<vmem>> -> memref<1x1280x32xf32, #tpu.memory_space<vmem>>
    %dma_wait3A_18 = tpu.memref_squeeze %dma_wait3A_17 : memref<1x1280x32xf32, #tpu.memory_space<vmem>> -> memref<1280x32xf32, #tpu.memory_space<vmem>>
    %dma_wait3A_19 = arith.constant 0 : i32
    %dma_wait3A_20 = arith.constant 0 : i32
    %dma_wait3A_21 = tpu.memref_slice %arg4[%dma_wait3A_19, %dma_wait3A_20] : memref<1000000x32xf32, #tpu.memory_space<hbm>> -> memref<1280x32xf32, #tpu.memory_space<hbm>>
    %dma_wait3A_22 = tpu.memref_slice %arg11[%dma_wait3A_14] : memref<2x!tpu.dma_semaphore, #tpu.memory_space<semaphore_mem>> -> memref<1x!tpu.dma_semaphore, #tpu.memory_space<semaphore_mem>>
    %dma_wait3A_23 = tpu.memref_squeeze %dma_wait3A_22 : memref<1x!tpu.dma_semaphore, #tpu.memory_space<semaphore_mem>> -> memref<!tpu.dma_semaphore, #tpu.memory_space<semaphore_mem>>
    %dma_wait3A_24 = arith.constant 0 : i32
    %dma_wait3A_25 = arith.constant 0 : i32
    %dma_wait3A_26 = tpu.memref_slice %arg9[%dma_wait3A, %dma_wait3A_24, %dma_wait3A_25] : memref<2x1280x32xf32, #tpu.memory_space<vmem>> -> memref<1x1280x32xf32, #tpu.memory_space<vmem>>
    %dma_wait3A_27 = tpu.memref_squeeze %dma_wait3A_26 : memref<1x1280x32xf32, #tpu.memory_space<vmem>> -> memref<1280x32xf32, #tpu.memory_space<vmem>>
    %dma_wait3A_28 = arith.constant 0 : i32
    %dma_wait3A_29 = arith.constant 0 : i32
    %dma_wait3A_30 = tpu.memref_slice %arg4[%dma_wait3A_28, %dma_wait3A_29] : memref<1000000x32xf32, #tpu.memory_space<hbm>> -> memref<1280x32xf32, #tpu.memory_space<hbm>>
    tpu.wait_dma2 semaphore(%dma_wait3A_23 : memref<!tpu.dma_semaphore, #tpu.memory_space<semaphore_mem>>) src(%dma_wait3A_30 : memref<1280x32xf32, #tpu.memory_space<hbm>>) dst(%dma_wait3A_27 : memref<1280x32xf32, #tpu.memory_space<vmem>>)
    %dma_wait3A_31 = arith.constant 1 : i32
    %dma_wait3A_32 = arith.constant 1 : i32
    %dma_wait3A_33 = arith.constant 0 : i32
    %dma_wait3A_34 = arith.constant 0 : i32
    %dma_wait3A_35 = tpu.memref_slice %arg9[%dma_wait3A_31, %dma_wait3A_33, %dma_wait3A_34] : memref<2x1280x32xf32, #tpu.memory_space<vmem>> -> memref<1x1280x32xf32, #tpu.memory_space<vmem>>
    %dma_wait3A_36 = tpu.memref_squeeze %dma_wait3A_35 : memref<1x1280x32xf32, #tpu.memory_space<vmem>> -> memref<1280x32xf32, #tpu.memory_space<vmem>>
    %dma_wait3A_37 = arith.constant 0 : i32
    %dma_wait3A_38 = arith.constant 0 : i32
    %dma_wait3A_39 = tpu.memref_slice %arg4[%dma_wait3A_37, %dma_wait3A_38] : memref<1000000x32xf32, #tpu.memory_space<hbm>> -> memref<1280x32xf32, #tpu.memory_space<hbm>>
    %dma_wait3A_40 = tpu.memref_slice %arg11[%dma_wait3A_32] : memref<2x!tpu.dma_semaphore, #tpu.memory_space<semaphore_mem>> -> memref<1x!tpu.dma_semaphore, #tpu.memory_space<semaphore_mem>>
    %dma_wait3A_41 = tpu.memref_squeeze %dma_wait3A_40 : memref<1x!tpu.dma_semaphore, #tpu.memory_space<semaphore_mem>> -> memref<!tpu.dma_semaphore, #tpu.memory_space<semaphore_mem>>
    %dma_wait3A_42 = arith.constant 0 : i32
    %dma_wait3A_43 = arith.constant 0 : i32
    %dma_wait3A_44 = tpu.memref_slice %arg9[%dma_wait3A_31, %dma_wait3A_42, %dma_wait3A_43] : memref<2x1280x32xf32, #tpu.memory_space<vmem>> -> memref<1x1280x32xf32, #tpu.memory_space<vmem>>
    %dma_wait3A_45 = tpu.memref_squeeze %dma_wait3A_44 : memref<1x1280x32xf32, #tpu.memory_space<vmem>> -> memref<1280x32xf32, #tpu.memory_space<vmem>>
    %dma_wait3A_46 = arith.constant 0 : i32
    %dma_wait3A_47 = arith.constant 0 : i32
    %dma_wait3A_48 = tpu.memref_slice %arg4[%dma_wait3A_46, %dma_wait3A_47] : memref<1000000x32xf32, #tpu.memory_space<hbm>> -> memref<1280x32xf32, #tpu.memory_space<hbm>>
    tpu.wait_dma2 semaphore(%dma_wait3A_41 : memref<!tpu.dma_semaphore, #tpu.memory_space<semaphore_mem>>) src(%dma_wait3A_48 : memref<1280x32xf32, #tpu.memory_space<hbm>>) dst(%dma_wait3A_45 : memref<1280x32xf32, #tpu.memory_space<vmem>>)
    return
  }
}

module attributes {stable_mosaic.version = 14 : i64} {
  func.func @_detile_body(%arg0: i32, %arg1: memref<32x16384xf32, #tpu.memory_space<vmem>>, %arg2: memref<4096x128xf32, #tpu.memory_space<vmem>>, %arg3: memref<576x32xf32, #tpu.memory_space<vmem>>) attributes {dimension_semantics = [#tpu.dimension_semantics<arbitrary>], iteration_bounds = array<i64: 62>, scalar_prefetch = 0 : i64, scratch_operands = 1 : i64, tpu.core_type = #tpu.core_type<tc>, window_params = [{transform_indices = @transform_0, window_bounds = array<i64: 32, 16384>}, {transform_indices = @transform_1, window_bounds = array<i64: 4096, 128>}]} {
    %ne3A = arith.constant 61 : i32
    %ne3A_0 = arith.cmpi ne, %arg0, %ne3A : i32
    %convert_element_type3A = arith.extui %ne3A_0 : i1 to i32
    %cond3A = arith.constant 0 : i32
    %cond3A_1 = arith.cmpi ne, %convert_element_type3A, %cond3A : i32
    scf.if %cond3A_1 {
      %get3A = arith.constant 0 : index
      %get3A_6 = arith.constant 0 : index
      %get3A_7 = vector.load %arg1[%get3A, %get3A_6] : memref<32x16384xf32, #tpu.memory_space<vmem>>, vector<32x4096xf32>
      %transpose3A = tpu.transpose %get3A_7, [1, 0] : vector<32x4096xf32> -> vector<4096x32xf32>
      %swap3A = arith.constant 0 : index
      %swap3A_8 = arith.constant 0 : index
      %swap3A_9 = vector.load %arg2[%swap3A, %swap3A_8] : memref<4096x128xf32, #tpu.memory_space<vmem>>, vector<4096x32xf32>
      tpu.vector_store %arg2[%swap3A, %swap3A_8], %transpose3A {strides = array<i32>} : memref<4096x128xf32, #tpu.memory_space<vmem>>, vector<4096x32xf32>,
      %get3A_10 = arith.constant 0 : index
      %get3A_11 = arith.constant 4096 : index
      %get3A_12 = vector.load %arg1[%get3A_10, %get3A_11] : memref<32x16384xf32, #tpu.memory_space<vmem>>, vector<32x4096xf32>
      %transpose3A_13 = tpu.transpose %get3A_12, [1, 0] : vector<32x4096xf32> -> vector<4096x32xf32>
      %swap3A_14 = arith.constant 0 : index
      %swap3A_15 = arith.constant 32 : index
      %swap3A_16 = vector.load %arg2[%swap3A_14, %swap3A_15] : memref<4096x128xf32, #tpu.memory_space<vmem>>, vector<4096x32xf32>
      tpu.vector_store %arg2[%swap3A_14, %swap3A_15], %transpose3A_13 {strides = array<i32>} : memref<4096x128xf32, #tpu.memory_space<vmem>>, vector<4096x32xf32>,
      %get3A_17 = arith.constant 0 : index
      %get3A_18 = arith.constant 8192 : index
      %get3A_19 = vector.load %arg1[%get3A_17, %get3A_18] : memref<32x16384xf32, #tpu.memory_space<vmem>>, vector<32x4096xf32>
      %transpose3A_20 = tpu.transpose %get3A_19, [1, 0] : vector<32x4096xf32> -> vector<4096x32xf32>
      %swap3A_21 = arith.constant 0 : index
      %swap3A_22 = arith.constant 64 : index
      %swap3A_23 = vector.load %arg2[%swap3A_21, %swap3A_22] : memref<4096x128xf32, #tpu.memory_space<vmem>>, vector<4096x32xf32>
      tpu.vector_store %arg2[%swap3A_21, %swap3A_22], %transpose3A_20 {strides = array<i32>} : memref<4096x128xf32, #tpu.memory_space<vmem>>, vector<4096x32xf32>,
      %get3A_24 = arith.constant 0 : index
      %get3A_25 = arith.constant 12288 : index
      %get3A_26 = vector.load %arg1[%get3A_24, %get3A_25] : memref<32x16384xf32, #tpu.memory_space<vmem>>, vector<32x4096xf32>
      %transpose3A_27 = tpu.transpose %get3A_26, [1, 0] : vector<32x4096xf32> -> vector<4096x32xf32>
      %swap3A_28 = arith.constant 0 : index
      %swap3A_29 = arith.constant 96 : index
      %swap3A_30 = vector.load %arg2[%swap3A_28, %swap3A_29] : memref<4096x128xf32, #tpu.memory_space<vmem>>, vector<4096x32xf32>
      tpu.vector_store %arg2[%swap3A_28, %swap3A_29], %transpose3A_27 {strides = array<i32>} : memref<4096x128xf32, #tpu.memory_space<vmem>>, vector<4096x32xf32>,
    } else {
    }
    %eq3A = arith.constant 61 : i32
    %eq3A_2 = arith.cmpi eq, %arg0, %eq3A : i32
    %convert_element_type3A_3 = arith.extui %eq3A_2 : i1 to i32
    %cond3A_4 = arith.constant 0 : i32
    %cond3A_5 = arith.cmpi ne, %convert_element_type3A_3, %cond3A_4 : i32
    scf.if %cond3A_5 {
      %get3A = arith.constant 0 : index
      %get3A_6 = arith.constant 0 : index
      %get3A_7 = vector.load %arg1[%get3A, %get3A_6] : memref<32x16384xf32, #tpu.memory_space<vmem>>, vector<32x576xf32>
      %transpose3A = tpu.transpose %get3A_7, [1, 0] : vector<32x576xf32> -> vector<576x32xf32>
      %swap3A = arith.constant 0 : index
      %swap3A_8 = arith.constant 0 : index
      %swap3A_9 = vector.load %arg3[%swap3A, %swap3A_8] : memref<576x32xf32, #tpu.memory_space<vmem>>, vector<576x32xf32>
      tpu.vector_store %arg3[%swap3A, %swap3A_8], %transpose3A {strides = array<i32>} : memref<576x32xf32, #tpu.memory_space<vmem>>, vector<576x32xf32>,
      %get3A_10 = arith.constant 0 : index
      %get3A_11 = arith.constant 0 : index
      %get3A_12 = tpu.strided_load %arg3[%get3A_10, %get3A_11] {strides = array<i32: 4, 1>} : memref<576x32xf32, #tpu.memory_space<vmem>>, vector<144x32xf32>
      %swap3A_13 = arith.constant 0 : index
      %swap3A_14 = arith.constant 0 : index
      %swap3A_15 = vector.load %arg2[%swap3A_13, %swap3A_14] : memref<4096x128xf32, #tpu.memory_space<vmem>>, vector<144x32xf32>
      tpu.vector_store %arg2[%swap3A_13, %swap3A_14], %get3A_12 {strides = array<i32>} : memref<4096x128xf32, #tpu.memory_space<vmem>>, vector<144x32xf32>,
      %get3A_16 = arith.constant 1 : index
      %get3A_17 = arith.constant 0 : index
      %get3A_18 = tpu.strided_load %arg3[%get3A_16, %get3A_17] {strides = array<i32: 4, 1>} : memref<576x32xf32, #tpu.memory_space<vmem>>, vector<144x32xf32>
      %swap3A_19 = arith.constant 0 : index
      %swap3A_20 = arith.constant 32 : index
      %swap3A_21 = vector.load %arg2[%swap3A_19, %swap3A_20] : memref<4096x128xf32, #tpu.memory_space<vmem>>, vector<144x32xf32>
      tpu.vector_store %arg2[%swap3A_19, %swap3A_20], %get3A_18 {strides = array<i32>} : memref<4096x128xf32, #tpu.memory_space<vmem>>, vector<144x32xf32>,
      %get3A_22 = arith.constant 2 : index
      %get3A_23 = arith.constant 0 : index
      %get3A_24 = tpu.strided_load %arg3[%get3A_22, %get3A_23] {strides = array<i32: 4, 1>} : memref<576x32xf32, #tpu.memory_space<vmem>>, vector<144x32xf32>
      %swap3A_25 = arith.constant 0 : index
      %swap3A_26 = arith.constant 64 : index
      %swap3A_27 = vector.load %arg2[%swap3A_25, %swap3A_26] : memref<4096x128xf32, #tpu.memory_space<vmem>>, vector<144x32xf32>
      tpu.vector_store %arg2[%swap3A_25, %swap3A_26], %get3A_24 {strides = array<i32>} : memref<4096x128xf32, #tpu.memory_space<vmem>>, vector<144x32xf32>,
      %get3A_28 = arith.constant 3 : index
      %get3A_29 = arith.constant 0 : index
      %get3A_30 = tpu.strided_load %arg3[%get3A_28, %get3A_29] {strides = array<i32: 4, 1>} : memref<576x32xf32, #tpu.memory_space<vmem>>, vector<144x32xf32>
      %swap3A_31 = arith.constant 0 : index
      %swap3A_32 = arith.constant 96 : index
      %swap3A_33 = vector.load %arg2[%swap3A_31, %swap3A_32] : memref<4096x128xf32, #tpu.memory_space<vmem>>, vector<144x32xf32>
      tpu.vector_store %arg2[%swap3A_31, %swap3A_32], %get3A_30 {strides = array<i32>} : memref<4096x128xf32, #tpu.memory_space<vmem>>, vector<144x32xf32>,
    } else {
    }
    return
  }
  func.func @transform_0(%arg0: i32) -> (i32, i32) {
    %c0_i32 = arith.constant 0 : i32
    %c0_i32_0 = arith.constant 0 : i32
    return %c0_i32, %arg0 : i32, i32
  }
  func.func @transform_1(%arg0: i32) -> (i32, i32) {
    %c0_i32 = arith.constant 0 : i32
    %c0_i32_0 = arith.constant 0 : i32
    return %arg0, %c0_i32 : i32, i32
  }
}

module attributes {stable_mosaic.version = 14 : i64} {
  func.func @_mm_body(%arg0: i32, %arg1: memref<512x128xf32, #tpu.memory_space<vmem>>, %arg2: memref<128x32xf32, #tpu.memory_space<vmem>>, %arg3: memref<2048x128xf32, #tpu.memory_space<vmem>>) attributes {dimension_semantics = [#tpu.dimension_semantics<arbitrary>], iteration_bounds = array<i64: 100>, scalar_prefetch = 0 : i64, scratch_operands = 0 : i64, tpu.core_type = #tpu.core_type<tc>, window_params = [{transform_indices = @transform_0, window_bounds = array<i64: 512, 128>}, {pipeline_mode = #tpu.pipeline_mode<synchronous>, transform_indices = @transform_1, window_bounds = array<i64: 128, 32>}, {transform_indices = @transform_2, window_bounds = array<i64: 2048, 128>}]} {
    %get3A = arith.constant 0 : index
    %get3A_0 = arith.constant 0 : index
    %get3A_1 = vector.load %arg1[%get3A, %get3A_0] : memref<512x128xf32, #tpu.memory_space<vmem>>, vector<512x32xf32>
    %get3A_2 = arith.constant 0 : index
    %get3A_3 = arith.constant 0 : index
    %get3A_4 = vector.load %arg2[%get3A_2, %get3A_3] : memref<128x32xf32, #tpu.memory_space<vmem>>, vector<128x32xf32>
    %dot_general3A = arith.constant dense<0.000000e+00> : vector<512x128xf32>
    %dot_general3A_5 = tpu.matmul %get3A_1, %get3A_4, %dot_general3A {dimension_numbers = #tpu.dot_dimension_numbers<[1], [1], [0], [0], [0, 0, 1, 0], [], []>, transpose_lhs_hint = false} : vector<512x32xf32>, vector<128x32xf32>, vector<512x128xf32> -> vector<512x128xf32>
    %swap3A = arith.constant 0 : index
    %swap3A_6 = arith.constant 0 : index
    %swap3A_7 = tpu.strided_load %arg3[%swap3A, %swap3A_6] {strides = array<i32: 4, 1>} : memref<2048x128xf32, #tpu.memory_space<vmem>>, vector<512x128xf32>
    tpu.strided_store %arg3[%swap3A, %swap3A_6], %dot_general3A_5 {strides = array<i32: 4, 1>} : memref<2048x128xf32, #tpu.memory_space<vmem>>, vector<512x128xf32>
    %get3A_8 = arith.constant 0 : index
    %get3A_9 = arith.constant 32 : index
    %get3A_10 = vector.load %arg1[%get3A_8, %get3A_9] : memref<512x128xf32, #tpu.memory_space<vmem>>, vector<512x32xf32>
    %get3A_11 = arith.constant 0 : index
    %get3A_12 = arith.constant 0 : index
    %get3A_13 = vector.load %arg2[%get3A_11, %get3A_12] : memref<128x32xf32, #tpu.memory_space<vmem>>, vector<128x32xf32>
    %dot_general3A_14 = arith.constant dense<0.000000e+00> : vector<512x128xf32>
    %dot_general3A_15 = tpu.matmul %get3A_10, %get3A_13, %dot_general3A_14 {dimension_numbers = #tpu.dot_dimension_numbers<[1], [1], [0], [0], [0, 0, 1, 0], [], []>, transpose_lhs_hint = false} : vector<512x32xf32>, vector<128x32xf32>, vector<512x128xf32> -> vector<512x128xf32>
    %swap3A_16 = arith.constant 1 : index
    %swap3A_17 = arith.constant 0 : index
    %swap3A_18 = tpu.strided_load %arg3[%swap3A_16, %swap3A_17] {strides = array<i32: 4, 1>} : memref<2048x128xf32, #tpu.memory_space<vmem>>, vector<512x128xf32>
    tpu.strided_store %arg3[%swap3A_16, %swap3A_17], %dot_general3A_15 {strides = array<i32: 4, 1>} : memref<2048x128xf32, #tpu.memory_space<vmem>>, vector<512x128xf32>
    %get3A_19 = arith.constant 0 : index
    %get3A_20 = arith.constant 64 : index
    %get3A_21 = vector.load %arg1[%get3A_19, %get3A_20] : memref<512x128xf32, #tpu.memory_space<vmem>>, vector<512x32xf32>
    %get3A_22 = arith.constant 0 : index
    %get3A_23 = arith.constant 0 : index
    %get3A_24 = vector.load %arg2[%get3A_22, %get3A_23] : memref<128x32xf32, #tpu.memory_space<vmem>>, vector<128x32xf32>
    %dot_general3A_25 = arith.constant dense<0.000000e+00> : vector<512x128xf32>
    %dot_general3A_26 = tpu.matmul %get3A_21, %get3A_24, %dot_general3A_25 {dimension_numbers = #tpu.dot_dimension_numbers<[1], [1], [0], [0], [0, 0, 1, 0], [], []>, transpose_lhs_hint = false} : vector<512x32xf32>, vector<128x32xf32>, vector<512x128xf32> -> vector<512x128xf32>
    %swap3A_27 = arith.constant 2 : index
    %swap3A_28 = arith.constant 0 : index
    %swap3A_29 = tpu.strided_load %arg3[%swap3A_27, %swap3A_28] {strides = array<i32: 4, 1>} : memref<2048x128xf32, #tpu.memory_space<vmem>>, vector<512x128xf32>
    tpu.strided_store %arg3[%swap3A_27, %swap3A_28], %dot_general3A_26 {strides = array<i32: 4, 1>} : memref<2048x128xf32, #tpu.memory_space<vmem>>, vector<512x128xf32>
    %get3A_30 = arith.constant 0 : index
    %get3A_31 = arith.constant 96 : index
    %get3A_32 = vector.load %arg1[%get3A_30, %get3A_31] : memref<512x128xf32, #tpu.memory_space<vmem>>, vector<512x32xf32>
    %get3A_33 = arith.constant 0 : index
    %get3A_34 = arith.constant 0 : index
    %get3A_35 = vector.load %arg2[%get3A_33, %get3A_34] : memref<128x32xf32, #tpu.memory_space<vmem>>, vector<128x32xf32>
    %dot_general3A_36 = arith.constant dense<0.000000e+00> : vector<512x128xf32>
    %dot_general3A_37 = tpu.matmul %get3A_32, %get3A_35, %dot_general3A_36 {dimension_numbers = #tpu.dot_dimension_numbers<[1], [1], [0], [0], [0, 0, 1, 0], [], []>, transpose_lhs_hint = false} : vector<512x32xf32>, vector<128x32xf32>, vector<512x128xf32> -> vector<512x128xf32>
    %swap3A_38 = arith.constant 3 : index
    %swap3A_39 = arith.constant 0 : index
    %swap3A_40 = tpu.strided_load %arg3[%swap3A_38, %swap3A_39] {strides = array<i32: 4, 1>} : memref<2048x128xf32, #tpu.memory_space<vmem>>, vector<512x128xf32>
    tpu.strided_store %arg3[%swap3A_38, %swap3A_39], %dot_general3A_37 {strides = array<i32: 4, 1>} : memref<2048x128xf32, #tpu.memory_space<vmem>>, vector<512x128xf32>
    return
  }
  func.func @transform_0(%arg0: i32) -> (i32, i32) {
    %c0_i32 = arith.constant 0 : i32
    %c0_i32_0 = arith.constant 0 : i32
    return %arg0, %c0_i32 : i32, i32
  }
  func.func @transform_1(%arg0: i32) -> (i32, i32) {
    %c0_i32 = arith.constant 0 : i32
    %c0_i32_0 = arith.constant 0 : i32
    %c0_i32_1 = arith.constant 0 : i32
    return %c0_i32, %c0_i32_0 : i32, i32
  }
  func.func @transform_2(%arg0: i32) -> (i32, i32) {
    %c0_i32 = arith.constant 0 : i32
    %c0_i32_0 = arith.constant 0 : i32
    return %arg0, %c0_i32 : i32, i32
  }
}

</mosaic_0001>

<sc_bundles>
// kernel: kernel.5.cloned.1.call-start
scs
__scs_entry_jumppad:
0x0: {  	(pc) =	sbr.rel $0x88, $3  }
0x1: {  	(tag) =	ssettag $0x0;
	lr =	simm.s32 $0x1  }
0x2: {  	[smem:$0x3F9D] =	sst lr;
	_ =	strace $0xD0000000  }
0x3: {  	_ = 	snop  }
0x4: {  	_ = 	snop  }
0x5: {  	_ = 	snop  }
0x6: {  	_ = 	snop  }
0x7: {  	_ = 	snop  }
__scs_overlays_trampoline_lowered:
0x8: {  	[smem:$0x3FAC] =	sst s0  }
0x9: {  	[smem:$0x3FAD] =	sst s1  }
0xa: {  	[smem:$0x3FAE] =	sst s2  }
0xb: {  	[smem:$0x3FAF] =	sst s3  }
0xc: {  	[smem:$0x3FB0] =	sst s4  }
0xd: {  	[smem:$0x3FB1] =	sst s5  }
0xe: {  	[smem:$0x3FB2] =	sst s6  }
0xf: {  	[smem:$0x3FB3] =	sst s7  }
0x10: {  	[smem:$0x3FB4] =	sst s8  }
0x11: {  	[smem:$0x3FB5] =	sst s9;
	s0 =	simm.s32 @!p0 $0x0  }
0x12: {  	s1 =	sld [smem:$0x3F9B];
	s0 =	simm.s32 @p0 $0x1  }
0x13: {  	[smem:$0x3FB6] =	sst s0;
	s0 =	simm.s32 @!p1 $0x0  }
0x14: {  	s2 =	sld [smem:$0x3F9A];
	s0 =	simm.s32 @p1 $0x1  }
0x15: {  	[smem:$0x3FB7] =	sst s0;
	s0 =	simm.s32 @!p2 $0x0  }
0x16: {  	s3 =	sld [smem:$0x3FDB];
	s0 =	simm.s32 @p2 $0x1  }
0x17: {  	s4 =	simm.s32 $0x1BF5;
	[smem:$0x3FB9] =	sst s0  }
0x18: {  	s0 =	sld [smem:$0x3F9C];
	_ =	swait.ge [sflag:s4], $0x0  }
0x19: {  	s7 =	sld [smem:$0x3F9D]  }
0x1a: {  	s8 =	sadd.s32 $0xFFFFE003, lr  }
0x1b: {  	s9 =	sadd.s32 $0xFFFFFEF7, lr;
	s5 =	simm.s32 $0xFFFFFFFF;
	p2 =	slt.u32 s8, $0xFFFFF086  }
0x1c: {  	p1 =	slt.u32 s9, $0xF7A;
	s5 =	simm.s32 @!p2 $0x0  }
0x1d: {  	s5 =	simm.s32 @p1 $0x1;
	p0 =	seq.s32 s7, s2  }
0x1e: {  	s7 =	smul.u32 @!p0 $0xF7A, s2;
	p2 =	seq.s32 @!p0 s5, $0x0  }
0x1f: {  	s9 =	smul.u32 $0xF7A, s1;
	s8 =	simm.s32 @!p0 $0x1BF5;
	p2 =	por !p2, p0  }
0x20: {  	[sflag:s8] =	ssyncset.s32 @!p0 $0xFFFFF086;
	s6 =	sadd.s32 @!p0 s3, s7;
	s7 =	simm.s32 @!p0 $0x108  }
0x21: {  	s3 =	sadd.s32 s3, s9;
	s6 =	sadd.s32 @!p0 $0x88, s6;
	s7 =	simm.s32 @p2 $0x1082  }
0x22: {  	[simem:s7], [sflag:s8] =	dma.local @!p0 [hbm:s6], $0xF7A  }
0x23: {  	s9 =	sor.u32 $0xD0000000, s2;
	s6 =	simm.s32 $0x108;
	_ =	swait.ge @!p0 [sflag:s8], $0x0  }
0x24: {  	s3 =	sadd.s32 $0x88, s3;
	s6 =	simm.s32 @!p1 $0x1082;
	[sflag:s4] =	ssyncset.s32 $0xFFFFF086  }
0x25: {  	[simem:s6], [sflag:s4] =	dma.local [hbm:s3], $0xF7A  }
0x26: {  	[smem:$0x3F9D] =	sst s1;
	(tag) =	ssettag s2;
	_ =	strace s9  }
0x27: {  	s1 =	sld [smem:$0x3FAD]  }
0x28: {  	s2 =	sld [smem:$0x3FAE]  }
0x29: {  	s4 =	sld [smem:$0x3FB0]  }
0x2a: {  	p0 =	seq.s32 s5, $0x0;
	s5 =	sld [smem:$0x3FB1]  }
0x2b: {  	s6 =	sld [smem:$0x3FB2]  }
0x2c: {  	s7 =	sld [smem:$0x3FB3]  }
0x2d: {  	s3 =	simm.s32 $0x108;
	s8 =	sld [smem:$0x3FB4]  }
0x2e: {  	s3 =	simm.s32 @!p0 $0x1082;
	s9 =	sld [smem:$0x3FB5]  }
0x2f: {  	lr =	sadd.s32 s0, s3;
	s0 =	sld [smem:$0x3FAC]  }
0x30: {  	s3 =	sld [smem:$0x3FAF]  }
0x31: {  	[smem:$0x3FB8] =	sst s10  }
0x32: {  	s10 =	sld [smem:$0x3FB6];
	_ =	sdelay $0x3  }
0x33: {  	p0 =	seq.s32 s10, $0x1;
	s10 =	sld [smem:$0x3FB8];
	_ =	sdelay $0x3  }
0x34: {  	[smem:$0x3FB8] =	sst s10  }
0x35: {  	s10 =	sld [smem:$0x3FB7];
	_ =	sdelay $0x3  }
0x36: {  	p1 =	seq.s32 s10, $0x1;
	s10 =	sld [smem:$0x3FB8];
	_ =	sdelay $0x3  }
0x37: {  	[smem:$0x3FB8] =	sst s10  }
0x38: {  	s10 =	sld [smem:$0x3FB9]  }
0x39: {  	_ = 	snop;
	(pc) =	sbr.ind lr, $3  }
0x3a: {  	_ = 	snop  }
0x3b: {  	_ = 	snop  }
0x3c: {  	p2 =	seq.s32 s10, $0x1;
	s10 =	sld [smem:$0x3FB8]  }
0x3d: {  	_ =	shalt  }
0x3e: {  	_ =	shalt  }
0x3f: {  	_ =	shalt  }
0x40: {  	_ =	shalt  }
0x41: {  	_ =	shalt  }
0x42: {  	_ =	shalt  }
0x43: {  	_ =	shalt  }
0x44: {  	_ =	shalt  }
0x45: {  	_ =	shalt  }
0x46: {  	_ =	shalt  }
0x47: {  	_ =	shalt  }
0x48: {  	_ =	shalt  }
0x49: {  	_ =	shalt  }
0x4a: {  	_ =	shalt  }
0x4b: {  	_ =	shalt  }
0x4c: {  	_ =	shalt  }
0x4d: {  	_ =	shalt  }
0x4e: {  	_ =	shalt  }
0x4f: {  	_ =	shalt  }
0x50: {  	_ =	shalt  }
0x51: {  	_ =	shalt  }
0x52: {  	_ =	shalt  }
0x53: {  	_ =	shalt  }
0x54: {  	_ =	shalt  }
0x55: {  	_ =	shalt  }
0x56: {  	_ =	shalt  }
0x57: {  	_ =	shalt  }
0x58: {  	_ =	shalt  }
0x59: {  	_ =	shalt  }
0x5a: {  	_ =	shalt  }
0x5b: {  	_ =	shalt  }
0x5c: {  	_ =	shalt  }
0x5d: {  	_ =	shalt  }
0x5e: {  	_ =	shalt  }
0x5f: {  	_ =	shalt  }
0x60: {  	_ =	shalt  }
0x61: {  	_ =	shalt  }
0x62: {  	_ =	shalt  }
0x63: {  	_ =	shalt  }
0x64: {  	_ =	shalt  }
0x65: {  	_ =	shalt  }
0x66: {  	_ =	shalt  }
0x67: {  	_ =	shalt  }
0x68: {  	_ =	shalt  }
0x69: {  	_ =	shalt  }
0x6a: {  	_ =	shalt  }
0x6b: {  	_ =	shalt  }
0x6c: {  	_ =	shalt  }
0x6d: {  	_ =	shalt  }
0x6e: {  	_ =	shalt  }
0x6f: {  	_ =	shalt  }
0x70: {  	_ =	shalt  }
0x71: {  	_ =	shalt  }
0x72: {  	_ =	shalt  }
0x73: {  	_ =	shalt  }
0x74: {  	_ =	shalt  }
0x75: {  	_ =	shalt  }
0x76: {  	_ =	shalt  }
0x77: {  	_ =	shalt  }
0x78: {  	_ =	shalt  }
0x79: {  	_ =	shalt  }
0x7a: {  	_ =	shalt  }
0x7b: {  	_ =	shalt  }
0x7c: {  	_ =	shalt  }
0x7d: {  	_ =	shalt  }
0x7e: {  	_ =	shalt  }
0x7f: {  	_ =	shalt  }
0x80: {  	_ =	shalt  }
0x81: {  	_ =	shalt  }
0x82: {  	_ =	shalt  }
0x83: {  	_ =	shalt  }
0x84: {  	_ =	shalt  }
0x85: {  	_ =	shalt  }
0x86: {  	_ =	shalt  }
0x87: {  	_ =	shalt  }
.Lfunc_end0:
.L_simem_size_0:
called_computation_lowered:
.L_overlay_start_0:
0x88: {  	s2 =	sld [smem:$0x3FD9]  }
0x89: {  	s3 =	sld [smem:$0x3FFE];
	_ =	sdelay $0x1  }
0x8a: {  	s1 =	srdreg.scid  }
0x8b: {  	s0 =	sand.u32 $0x1, s1  }
0x8c: {  	s17 =	sshll.u32 s0, $0xA;
	s2 =	sadd.s32 s3, s2  }
0x8d: {  	s2 =	sadd.s32 s2, s17  }
0x8e: {  	[smem:$0x3FC4] =	sst s2  }
0x8f: {  	_ = 	snop  }
0x90: {  	s2 =	sld [smem:$0x3FD0];
	(tm) =	ssettm $0x1  }
0x91: {  	s18 =	sld [smem:$0x3FFB];
	_ =	sdelay $0x3  }
0x92: {  	_ =	strace s18  }
0x93: {  	s3 =	sld [smem:$0x3FFC];
	_ =	sdelay $0x3  }
0x94: {  	_ =	strace s3  }
0x95: {  	s3 =	sld [smem:$0x3FFD];
	_ =	sdelay $0x3  }
0x96: {  	_ =	strace s3  }
0x97: {  	_ =	strace $0x8FFFFFFF  }
0x98: {  	s19 =	sld [smem:$0x3FDB];
	_ =	sdelay $0x1  }
0x99: {  	s4 =	simm.s32 $_scs_section_size  }
0x9a: {  	s5 =	simm.s32 $_size__tile_overlayer_lowered;
	s6 =	simm.s32 $_tile_overlayer_lowered  }
0x9b: {  	s22 =	simm.s32 $0x1BFF;
	s21 =	sshll.u32 s6, $0x1;
	s3 =	sadd.s32 s4, s19  }
0x9c: {  	s7 =	simm.s32 $0x0;
	s20 =	sshll.u32 s5, $0x1;
	s5 =	sadd.s32 s21, s3  }
0x9d: {  	[timem:s7], [sflag:s22] =	dma.local [hbm:s5], s20  }
0x9e: {  	_ =	swait.ge [sflag:s22], s20  }
0x9f: {  	s4 =	ssub.s32 $0x0, s20;
	[sflag:s22] =	ssyncset.done $0x0  }
0xa0: {  	[sflag:s22] =	ssyncadd.s32 s4;
	_ =	sdelay $0x1  }
0xa1: {  	s23 =	simm.s32 $0x1B8B  }
0xa2: {  	_ =	swait.ge [sflag:s23], $0x1  }
0xa3: {  	[sflag:s23] =	ssyncset.done $0x0  }
0xa4: {  	s25 =	simm.s32 $0x1B8E;
	s24 =	sld [smem:$0x3FFE];
	[sflag:s23] =	ssyncadd.s32 $0xFFFFFFFF  }
0xa5: {  	s26 =	simm.s32 $execute0_lowered;
	[smem:$0x3FD2] =	sst s25  }
0xa6: {  	s5 =	sshll.u32 s26, $0x1;
	_ =	strace $0x80000046;
	[dreg:$0x1] =	wrdreg $0xFFFFFFFF  }
0xa7: {  	s28 =	simm.s32 $_size_execute0_lowered;
	s3 =	sadd.s32 s3, s5;
	[dreg:$0x0] =	wrdreg $0x0  }
0xa8: {  	s5 =	sshll.u32 s28, $0x1;
	[dreg:$0x2] =	wrdreg s3  }
0xa9: {  	[dreg:$0x3] =	wrdreg s5  }
0xaa: {  	[dreg:$0x4] =	wrdreg $0xC0  }
0xab: {  	_ =	task [dreg:s7], $0x5FFFF  }
0xac: {  	[dreg:$0x1] =	wrdreg $0xFFFFFFFF  }
0xad: {  	[dreg:$0x0] =	wrdreg $0x60  }
0xae: {  	[dreg:$0x2] =	wrdreg s2  }
0xaf: {  	[dreg:$0x3] =	wrdreg s24  }
0xb0: {  	[dreg:$0x4] =	wrdreg $0x9  }
0xb1: {  	_ =	task.clear_ibuf [dreg:s7], $0x5FFFF;
	_ =	strace $0x90000046  }
0xb2: {  	s29 =	simm.s32 $0x9;
	_ =	strace $0x80000048  }
0xb3: {  	_ =	swait.ge [sflag:s29], $0x1  }
0xb4: {  	[sflag:s29] =	ssyncadd.s32 $0xFFFFFFFF  }
0xb5: {  	_ =	strace $0x90000048  }
0xb6: {  	_ =	sfence  }
0xb7: {  	s30 =	sld [smem:$0x0];
	_ =	sdelay $0x2  }
0xb8: {  	s31 =	sshll.u32 s1, $0xD;
	s1 =	sshrl.u32 s1, $0x2  }
0xb9: {  	s3 =	sand.u32 $0x4000, s31;
	s1 =	sadd.s32 s1, s30  }
0xba: {  	s0 =	sor.u32 s3, s0;
	s1 =	sshll.u32 s1, $0x11  }
0xbb: {  	s0 =	sor.u32 s1, s0  }
0xbc: {  	s0 =	sadd.s32 $0x8F2B, s0  }
0xbd: {  	[sflag:s0] =	ssyncadd.remote.s32 $0x1  }
0xbe: {  	_ =	sfence.sel $0xFFFF  }
0xbf: {  	[dreg:$0x0] =	wrdreg $0xFFFFFFFF;
	(pc) =	sbr.abs _section_cstart, $3  }
0xc0: {  	[dreg:$0x1] =	wrdreg $0xFFFFFFFF  }
0xc1: {  	_ =	task.clear_ibuf [dreg:s7], $0x2FFFF;
	_ =	strace $0x9FFFFFFF  }
0xc2: {  	(tm) =	ssettm $0x7FFFFFFF  }
0xc3: {  	_ =	shalt  }
tec
execute0_lowered:
.L_overlay_start_1:
0x0: {  	(tag) =	ssettag $0x1  }
0x1: {  	s0 =	srdreg.scid  }
0x2: {  	s7 =	stileid.u32;
	s1 =	rddreg [dreg:$0x0]  }
0x3: {  	s4 =	rddreg [dreg:$0x1];
	s0 =	sand.u32 $0x1, s0;
	s2 =	sshll.u32 s7, $0x1  }
0x4: {  	s10 =	simm.s32 $0x0;
	s7 =	smul.u32 $0xC800, s7;
	s3 =	sor.u32 s0, s2  }
0x5: {  	[smem:$0x7FF] =	sst s10;
	s8 =	ssub.s32 $0x2, s0;
	s3 =	smul.u32 $0x1900, s3  }
0x6: {  	v0 =	vimm.s32 $0xECA86420;
	s11 =	sadd.s32 $0xA00, s4;
	_ =	strace $0x80000047;
	s9 =	sshrl.u32 s8, $0x1  }
0x7: {  	vm0 =	vcmask $0xB08;
	vm1 =	vcmask $0x1310;
	vm2 =	vcmask $0x1B18;
	s0 =	smul.u32 $0x6400, s0;
	s28 =	ssub.s32 s8, s9;
	s5 =	sshrl.u32 s3, $0x3  }
0x8: {  	vm4 =	vcmask $0x300;
	vm6 =	vcmask $0x2B28;
	vm3 =	vcmask $0x3B38;
	[dreg:$0x3] =	wrdreg s11;
	s30 =	smax.u32 s28, $0x1;
	s6 =	sadd.s32 s5, s4  }
0x9: {  	v1 =	vlaneseq.u32;
	vm8 =	vmmov $0xff;
	vm9 =	vcmask $0x704;
	s4 =	sadd.s32 s7, s4;
	s1 =	sadd.s32 s1, s5;
	[dreg:$0x6] =	wrdreg s30  }
0xa: {  	vm11 =	vcmask $0xF0C;
	vm13 =	vcmask $0x1F1C;
	v0 =	vunpack.c.l.s4.s8 v0;
	[dreg:$0x4] =	wrdreg s1;
	s29 =	sadd.s32 $0x3D1400, s6;
	s0 =	sadd.s32 s0, s4  }
0xb: {  	vm15 =	vcmask $0x2F2C;
	vm12 =	vcmask $0x1714;
	vm14 =	vcmask $0x2724;
	[dreg:$0x5] =	wrdreg s29;
	s31 =	sadd.s32 $0x3D7800, s0  }
0xc: {  	vm7 =	vcmask $0x3330;
	v1 =	vmul.u32 $0x2, v1;
	s2 =	simm.s32 $0x0;
	v0 =	vunpack.c.0.s8.s32 v0;
	[dreg:$0x7] =	wrdreg s31  }
.LBB2_1:
0xd: {  	[dreg:$0x8] =	wrdreg s2  }
0xe: {  	s0 =	rddreg [dreg:$0x4];
	s1 =	simm.s32 $0x5  }
0xf: {  	[tilespmem:s10], [sflag:$0x5] =	stream.linear.gather [hbm4b:s0+s10], $0x1900, $0x38;
	[tilespmem:$0x18B00] =	vst v63  }
0x10: {  	_ =	swait.ge [sflag:s1], $0x1900  }
0x11: {  	[sflag:s1] =	ssyncset.done $0x0  }
0x12: {  	s2 =	simm.s32 $0x1900;
	s31 =	rddreg [dreg:$0x5];
	[sflag:s1] =	ssyncadd.s32 $0xFFFFE700  }
0x13: {  	[tilespmem:s2], [sflag:$0x5] =	stream.linear.gather [hbm4b:s31+s10], $0x1900, $0x38;
	[tilespmem:$0x18B00] =	vst v63  }
0x14: {  	_ =	swait.ge [sflag:s1], $0x1900  }
0x15: {  	s3 =	simm.s32 $0x3200;
	[sflag:s1] =	ssyncset.done $0x0  }
0x16: {  	s0 =	simm.s32 $0x0;
	[sflag:s1] =	ssyncadd.s32 $0xFFFFE700;
	s1 =	simm.s32 $0x0  }
.LBB2_2:
0x17: {  	v3 =	vmov s0;
	_ =	sdelay $0x1  }
0x18: {  	v4 =	vmov s2;
	_ =	sdelay $0x1  }
0x19: {  	s17 =	simm.s32 $0x0  }
0x1a: {  	v2 =	vld.idx.msk [tilespmem:v3+s17+$0x0 ss:$0x1], $0xffff;
	_ =	sdelay $0x1  }
0x1b: {  	v5 =	vld.idx.msk [tilespmem:v4+s17+$0x0 ss:$0x1], $0xffff;
	_ =	sdelay $0x2  }
0x1c: {  	v2 =	vmul.u32 $0xF4243, v2;
	_ =	sdelay $0x1  }
0x1d: {  	v2 =	vadd.s32 v5, v2  }
0x1e: {  	(v2sf) =	vpush v2, $0x0  }
0x1f: {  	(v2sf) =	vpush v2, $0x7;
	_ =	sdelay $0x2  }
0x20: {  	(v2sf) =	vpush v2, $0x1  }
0x21: {  	(v2sf) =	vpush v2, $0x2  }
0x22: {  	(v2sf) =	vpush v2, $0x5;
	_ =	sdelay $0x1  }
0x23: {  	(v2sf) =	vpush v2, $0x3;
	_ =	sdelay $0x1  }
0x24: {  	(v2sf) =	vpush v2, $0x4;
	_ =	sdelay $0x1  }
0x25: {  	(v2sf) =	vpush v2, $0xC  }
0x26: {  	(v2sf) =	vpush v2, $0xD  }
0x27: {  	[dreg:$0xc] =	wrdreg s1  }
0x28: {  	[dreg:$0xb] =	wrdreg s0;
	(v2sf) =	vpush v2, $0xE;
	s12 =	spop (v2sf)  }
0x29: {  	s22 =	smulhi.u32 $0x431BDE83, s12;
	s13 =	spop (v2sf)  }
0x2a: {  	[dreg:$0x9] =	wrdreg s2;
	(v2sf) =	vpush v2, $0x8;
	s31 =	sshra.s32 s12, $0x1F;
	s5 =	smulhi.u32 $0x431BDE83, s13  }
0x2b: {  	[dreg:$0xa] =	wrdreg s3;
	(v2sf) =	vpush v2, $0x9;
	s4 =	sshra.s32 s13, $0x1F;
	s31 =	smul.u32 $0x431BDE83, s31  }
0x2c: {  	s14 =	spop (v2sf);
	s4 =	smul.u32 $0x431BDE83, s4  }
0x2d: {  	s18 =	spop (v2sf);
	s21 =	smulhi.u32 $0x431BDE83, s14;
	s1 =	sshra.s32 s14, $0x1F  }
0x2e: {  	(v2sf) =	vpush v2, $0xF;
	s20 =	spop (v2sf);
	s23 =	smulhi.u32 $0x431BDE83, s18;
	s19 =	sshra.s32 s18, $0x1F  }
0x2f: {  	s25 =	smul.u32 $0x431BDE83, s1;
	s18 =	simm.s32 $0x40;
	s31 =	sadd.s32 s31, s22  }
0x30: {  	s24 =	spop (v2sf);
	s28 =	smul.u32 $0x431BDE83, s19;
	s7 =	sshra.s32 s20, $0x1F  }
0x31: {  	s19 =	sadd.s32 s4, s5;
	s30 =	smulhi.u32 $0x431BDE83, s24;
	s24 =	sshra.s32 s24, $0x1F  }
0x32: {  	s26 =	spop (v2sf);
	s4 =	sshra.s32 s19, $0x1F;
	s24 =	smul.u32 $0x431BDE83, s24  }
0x33: {  	(v2sf) =	vpush v2, $0xA;
	s0 =	sadd.s32 s25, s21;
	s15 =	sshra.s32 s26, $0x1F;
	s26 =	smulhi.u32 $0x431BDE83, s26  }
0x34: {  	s29 =	spop (v2sf);
	s2 =	sadd.s32 s28, s23;
	s10 =	smul.u32 $0x431BDE83, s15  }
0x35: {  	s6 =	spop (v2sf);
	s16 =	sshra.s32 s29, $0x1F;
	s29 =	smulhi.u32 $0x431BDE83, s29  }
0x36: {  	s28 =	sshra.s32 s0, $0x12;
	s25 =	sshra.s32 s2, $0x12;
	s11 =	smulhi.u32 $0x431BDE83, s6  }
0x37: {  	(v2sf) =	vpush v2, $0xB;
	s21 =	sshra.s32 s2, $0x1F;
	s1 =	smul.u32 $0x431BDE83, s16;
	s8 =	spop (v2sf)  }
0x38: {  	s6 =	sshra.s32 s6, $0x1F;
	s24 =	sadd.s32 s24, s30;
	s9 =	smulhi.u32 $0x431BDE83, s8  }
0x39: {  	s12 =	spop (v2sf);
	s6 =	smul.u32 $0x431BDE83, s6;
	s8 =	sshra.s32 s8, $0x1F  }
0x3a: {  	s13 =	spop (v2sf);
	s5 =	sadd.s32 s1, s29;
	s8 =	smul.u32 $0x431BDE83, s8  }
0x3b: {  	s1 =	sshra.s32 s12, $0x1F;
	s12 =	smulhi.u32 $0x431BDE83, s12;
	s6 =	sadd.s32 s6, s11  }
0x3c: {  	s11 =	sshrl.u32 s2, $0x1F;
	s2 =	sshra.s32 s13, $0x1F;
	s13 =	smulhi.u32 $0x431BDE83, s13  }
0x3d: {  	s10 =	sadd.s32 s10, s26;
	s23 =	smul.u32 $0x431BDE83, s1;
	s14 =	spop (v2sf);
	(v2sf) =	vpush v2, $0x6  }
0x3e: {  	s8 =	sadd.s32 s8, s9;
	s9 =	sshrl.u32 s5, $0x1F;
	s5 =	sshra.s32 s5, $0x12  }
0x3f: {  	s29 =	sshra.s32 s6, $0x12;
	s22 =	smul.u32 $0x431BDE83, s2;
	s2 =	sshrl.u32 s24, $0x1F  }
0x40: {  	s6 =	sshrl.u32 s6, $0x1F;
	s12 =	sadd.s32 s23, s12;
	s23 =	sshra.s32 s24, $0x12  }
0x41: {  	v5 =	vmov s9;
	s26 =	sshrl.u32 s8, $0x1F;
	s9 =	sshra.s32 s31, $0x12;
	s13 =	sadd.s32 s22, s13  }
0x42: {  	s22 =	sshra.s32 s24, $0x1F;
	s16 =	smulhi.u32 $0x431BDE83, s14;
	s15 =	spop (v2sf)  }
0x43: {  	v6 =	vmov s5;
	s24 =	sshra.s32 s8, $0x12;
	s14 =	sshra.s32 s14, $0x1F;
	s30 =	smulhi.u32 $0x431BDE83, s15  }
0x44: {  	v7 =	vmov s4;
	v6 =	vsel vm0, s29, v6;
	s29 =	sshrl.u32 s31, $0x1F;
	s14 =	smul.u32 $0x431BDE83, s14;
	s15 =	sshra.s32 s15, $0x1F  }
0x45: {  	v5 =	vsel vm0, s6, v5;
	v9 =	vsel vm4, s9, v7;
	s9 =	sshrl.u32 s0, $0x1F;
	s0 =	sshra.s32 s0, $0x1F;
	s15 =	smul.u32 $0x431BDE83, s15  }
0x46: {  	v5 =	vsel vm1, s26, v5;
	s26 =	sshra.s32 s10, $0x12;
	v8 =	vmov s29;
	s14 =	sadd.s32 s14, s16;
	s16 =	spop (v2sf)  }
0x47: {  	vm10 =	vmmov vm9;
	v8 =	vnsel vm4, $0x0, v8;
	s1 =	smulhi.u32 $0x431BDE83, s16;
	s6 =	sshra.s32 s16, $0x1F;
	s4 =	sadd.s32 s15, s30  }
0x48: {  	vm5 =	vcmask $0x2320;
	v6 =	vsel vm1, s24, v6;
	v8 =	vsel vm0, s9, v8;
	s8 =	sshra.s32 s14, $0x12;
	s15 =	sshra.s32 s31, $0x1F;
	s14 =	sshrl.u32 s14, $0x1F  }
0x49: {  	s24 =	sshrl.u32 s10, $0x1F;
	s29 =	sshrl.u32 s13, $0x1F;
	v8 =	vsel vm1, s11, v8;
	v7 =	vsel vm2, s14, v5;
	v5 =	vsel vm9, s15, v9;
	s6 =	smul.u32 $0x431BDE83, s6  }
0x4a: {  	s30 =	sshra.s32 s10, $0x1F;
	s16 =	sshrl.u32 s12, $0x1F;
	s31 =	sshra.s32 s12, $0x12;
	v8 =	vsel vm2, s2, v8;
	v6 =	vsel vm2, s8, v6;
	v5 =	vsel vm0, s28, v5  }
0x4b: {  	v9 =	vmov s16;
	v10 =	vmov s31;
	s5 =	sshra.s32 s4, $0x12;
	v11 =	vsel vm11, s0, v5;
	s28 =	sadd.s32 s6, s1;
	s1 =	smul.u32 $0x431BDE83, s7  }
0x4c: {  	v9 =	vsel vm0, s29, v9;
	v5 =	vmov s3;
	v11 =	vsel vm1, s25, v11;
	s25 =	sshrl.u32 s4, $0x1F;
	s4 =	sshra.s32 s13, $0x12;
	s0 =	spop (v2sf)  }
.LBB2_3:
0x4d: {  	p0 =	sne.s32 s18, $0x1C0  }
0x4e: {  	s2 =	smulhi.u32 $0x431BDE83, s0;
	s6 =	sshra.s32 s0, $0x1F;
	v10 =	vsel vm0, s4, v10;
	s0 =	smov.u32 s18  }
0x4f: {  	s18 =	sadd.s32 $0x40, s18;
	v11 =	vsel vm12, s21, v11;
	s4 =	smul.u32 $0x431BDE83, s6;
	v10 =	vsel vm1, s5, v10;
	s5 =	sshra.s32 s28, $0x12  }
0x50: {  	v9 =	vsel vm1, s25, v9;
	s8 =	smulhi.u32 $0x431BDE83, s20;
	s6 =	sshrl.u32 s28, $0x1F;
	v11 =	vsel vm2, s23, v11;
	v10 =	vsel vm2, s5, v10  }
0x51: {  	v9 =	vsel vm2, s6, v9;
	s2 =	sadd.s32 s4, s2;
	v6 =	vcombine.low v10, v6;
	v10 =	vsel vm13, s22, v11  }
0x52: {  	s1 =	sadd.s32 s1, s8;
	v7 =	vcombine.low v9, v7;
	v9 =	vsel vm5, s26, v10  }
0x53: {  	s4 =	sshra.s32 s1, $0x12;
	v9 =	vsel vm14, s30, v9  }
0x54: {  	v9 =	vsel vm6, s4, v9;
	s4 =	sshra.s32 s1, $0x1F  }
0x55: {  	v8 =	vsel vm5, s24, v8;
	s1 =	sshrl.u32 s1, $0x1F;
	v9 =	vsel vm15, s4, v9;
	s4 =	sshra.s32 s2, $0x12  }
0x56: {  	vm9 =	vcmask $0x3734;
	v8 =	vsel vm6, s1, v8;
	s1 =	sshrl.u32 s2, $0x1F;
	s2 =	sshra.s32 s2, $0x1F;
	v9 =	vsel vm7, s4, v9  }
0x57: {  	v8 =	vsel vm7, s1, v8;
	s1 =	sshrl.u32 s19, $0x1F;
	v9 =	vsel vm9, s2, v9;
	s2 =	sshra.s32 s19, $0x12  }
0x58: {  	v8 =	vsel vm3, s1, v8;
	v9 =	vsel vm3, s2, v9  }
0x59: {  	v6 =	vperm.xlane v6, v0;
	v9 =	vperm.xlane v9, v1  }
0x5a: {  	v7 =	vperm.xlane v7, v0;
	v8 =	vperm.xlane v8, v1;
	_ =	sdelay $0x1  }
0x5b: {  	v7 =	vsel vm8, v8, v7;
	v6 =	vsel vm8, v9, v6  }
0x5c: {  	v6 =	vadd.s32 v7, v6  }
0x5d: {  	v6 =	vmul.u32 $0xF4240, v6;
	_ =	sdelay $0x1  }
0x5e: {  	v2 =	vsub.s32 v2, v6  }
0x5f: {  	vm9 =	vlt.s32 v2, $0x0;
	v6 =	vadd.s32 $0xF4240, v2  }
0x60: {  	v2 =	vsel vm9, v6, v2  }
0x61: {  	v6 =	vshll.u32 v2, $0x2;
	v7 =	vshrl.u32 v2, $0xC  }
0x62: {  	v8 =	vand.u32 $0xFFFFC000, v2;
	v6 =	vand.u32 $0x3FFC, v6  }
0x63: {  	v7 =	vand.u32 $0x3, v7;
	v6 =	vor.u32 v8, v6  }
0x64: {  	vm9 =	vgt.s32 v2, $0xF3FFF;
	v6 =	vor.u32 v7, v6  }
0x65: {  	v2 =	vsel vm9, v2, v6  }
0x66: {  	[tilespmem:v5+s17+$0x0 ss:$0x1] =	vst.idx.msk $0xffff, v2  }
0x67: {  	s17 =	sshra.s32 s0, $0x2  }
0x68: {  	v2 =	vld.idx.msk [tilespmem:v3+s17+$0x0 ss:$0x1], $0xffff;
	_ =	sdelay $0x1  }
0x69: {  	v6 =	vld.idx.msk [tilespmem:v4+s17+$0x0 ss:$0x1], $0xffff;
	_ =	sdelay $0x3  }
0x6a: {  	v2 =	vmul.u32 $0xF4243, v2;
	_ =	sdelay $0x1  }
0x6b: {  	v2 =	vadd.s32 v6, v2  }
0x6c: {  	(v2sf) =	vpush v2, $0x0  }
0x6d: {  	(v2sf) =	vpush v2, $0x7  }
0x6e: {  	(v2sf) =	vpush v2, $0x1  }
0x6f: {  	(v2sf) =	vpush v2, $0x2  }
0x70: {  	(v2sf) =	vpush v2, $0x5  }
0x71: {  	(v2sf) =	vpush v2, $0x3  }
0x72: {  	(v2sf) =	vpush v2, $0x4;
	_ =	sdelay $0x1  }
0x73: {  	(v2sf) =	vpush v2, $0xC  }
0x74: {  	(v2sf) =	vpush v2, $0xD;
	_ =	sdelay $0x1  }
0x75: {  	(v2sf) =	vpush v2, $0xE;
	_ =	sdelay $0x2  }
0x76: {  	(v2sf) =	vpush v2, $0x8  }
0x77: {  	(v2sf) =	vpush v2, $0x9;
	s0 =	spop (v2sf)  }
0x78: {  	s24 =	smulhi.u32 $0x431BDE83, s0;
	s1 =	spop (v2sf)  }
0x79: {  	(v2sf) =	vpush v2, $0xF;
	s22 =	sshra.s32 s0, $0x1F;
	s0 =	sshra.s32 s1, $0x1F;
	s1 =	smulhi.u32 $0x431BDE83, s1  }
0x7a: {  	s2 =	spop (v2sf);
	s0 =	smul.u32 $0x431BDE83, s0  }
0x7b: {  	s4 =	sshra.s32 s2, $0x1F;
	s5 =	spop (v2sf);
	s2 =	smulhi.u32 $0x431BDE83, s2  }
0x7c: {  	(v2sf) =	vpush v2, $0xA;
	s6 =	sshra.s32 s5, $0x1F;
	s5 =	smulhi.u32 $0x431BDE83, s5  }
0x7d: {  	s20 =	spop (v2sf);
	s4 =	smul.u32 $0x431BDE83, s4  }
0x7e: {  	s25 =	sshra.s32 s20, $0x1F;
	s8 =	spop (v2sf);
	s19 =	sadd.s32 s0, s1  }
0x7f: {  	s1 =	smul.u32 $0x431BDE83, s6;
	s10 =	sshra.s32 s8, $0x1F;
	(v2sf) =	vpush v2, $0xB;
	s11 =	spop (v2sf)  }
0x80: {  	s28 =	sadd.s32 s4, s2;
	s2 =	smulhi.u32 $0x431BDE83, s8;
	s12 =	sshra.s32 s11, $0x1F  }
0x81: {  	s0 =	sshra.s32 s19, $0x1F;
	s10 =	smul.u32 $0x431BDE83, s10;
	s6 =	spop (v2sf)  }
0x82: {  	s11 =	smulhi.u32 $0x431BDE83, s11;
	s4 =	spop (v2sf)  }
0x83: {  	s5 =	sadd.s32 s1, s5;
	s26 =	smul.u32 $0x431BDE83, s12;
	s8 =	sshra.s32 s6, $0x1F  }
0x84: {  	s12 =	smulhi.u32 $0x431BDE83, s4;
	s4 =	sshra.s32 s4, $0x1F;
	s13 =	spop (v2sf)  }
0x85: {  	s31 =	sshra.s32 s28, $0x12;
	s29 =	sshra.s32 s5, $0x12;
	s8 =	smul.u32 $0x431BDE83, s8  }
0x86: {  	s1 =	sshrl.u32 s5, $0x1F;
	s21 =	sshra.s32 s5, $0x1F;
	s6 =	smulhi.u32 $0x431BDE83, s6  }
0x87: {  	s5 =	smulhi.u32 $0x431BDE83, s13;
	s13 =	sshra.s32 s13, $0x1F;
	s14 =	spop (v2sf)  }
0x88: {  	s2 =	sadd.s32 s10, s2;
	s15 =	sshra.s32 s14, $0x1F;
	s16 =	spop (v2sf)  }
0x89: {  	s4 =	smul.u32 $0x431BDE83, s4;
	s7 =	sshra.s32 s16, $0x1F;
	s23 =	spop (v2sf)  }
0x8a: {  	s11 =	sadd.s32 s26, s11;
	s6 =	sadd.s32 s8, s6;
	s8 =	sshra.s32 s23, $0x1F  }
0x8b: {  	s30 =	sshrl.u32 s6, $0x1F;
	s9 =	smulhi.u32 $0x431BDE83, s23;
	s23 =	spop (v2sf)  }
0x8c: {  	s12 =	sadd.s32 s4, s12;
	s13 =	smul.u32 $0x431BDE83, s13;
	s4 =	sshra.s32 s6, $0x12;
	v6 =	vmov s30;
	(v2sf) =	vpush v2, $0x6  }
0x8d: {  	s30 =	sshra.s32 s12, $0x12;
	v7 =	vmov s4;
	s6 =	smulhi.u32 $0x431BDE83, s23;
	s23 =	sshra.s32 s23, $0x1F  }
0x8e: {  	s26 =	sshra.s32 s11, $0x12;
	v7 =	vsel vm0, s30, v7;
	s3 =	smul.u32 $0x431BDE83, s23;
	s10 =	spop (v2sf)  }
0x8f: {  	s4 =	sshrl.u32 s2, $0x1F;
	s30 =	smul.u32 $0x431BDE83, s22;
	s23 =	sshra.s32 s2, $0x12  }
0x90: {  	s12 =	sshrl.u32 s12, $0x1F;
	s22 =	sshra.s32 s2, $0x1F;
	s8 =	smul.u32 $0x431BDE83, s8  }
0x91: {  	v6 =	vsel vm0, s12, v6;
	s2 =	sadd.s32 s13, s5;
	s5 =	sadd.s32 s30, s24;
	s12 =	smulhi.u32 $0x431BDE83, s10  }
0x92: {  	s14 =	smulhi.u32 $0x431BDE83, s14;
	s13 =	sshrl.u32 s2, $0x1F;
	s10 =	sshra.s32 s10, $0x1F  }
0x93: {  	s24 =	sshrl.u32 s11, $0x1F;
	v8 =	vsel vm1, s13, v6;
	s13 =	smulhi.u32 $0x431BDE83, s16;
	s16 =	sshra.s32 s5, $0x12  }
0x94: {  	s30 =	sshra.s32 s11, $0x1F;
	s8 =	sadd.s32 s8, s9;
	s9 =	smul.u32 $0x431BDE83, s15  }
0x95: {  	s7 =	smul.u32 $0x431BDE83, s7;
	s2 =	sshra.s32 s2, $0x12  }
0x96: {  	s11 =	sshrl.u32 s28, $0x1F;
	v6 =	vsel vm1, s2, v7;
	s2 =	sshra.s32 s8, $0x12;
	s9 =	sadd.s32 s9, s14  }
0x97: {  	s14 =	sshrl.u32 s5, $0x1F;
	v7 =	vmov s0;
	s0 =	sshra.s32 s5, $0x1F;
	s3 =	sadd.s32 s3, s6;
	v6 =	vsel vm2, s2, v6  }
.Ltmp0:
0x98: {  	s2 =	sshrl.u32 s8, $0x1F;
	v9 =	vmov s14;
	v10 =	vsel vm4, s16, v7;
	s7 =	sadd.s32 s7, s13;
	(pc) =	sbr.rel @p0 .LBB2_3-.Ltmp0, $4  }
0x99: {  	s6 =	sshrl.u32 s9, $0x1F;
	s5 =	sshra.s32 s3, $0x12;
	v7 =	vsel vm2, s2, v8;
	v8 =	vnsel vm4, $0x0, v9;
	v9 =	vsel vm10, s0, v10;
	s2 =	sshrl.u32 s7, $0x1F  }
0x9a: {  	s8 =	sshra.s32 s28, $0x1F;
	v11 =	vmov s6;
	s6 =	smul.u32 $0x431BDE83, s10;
	s0 =	sshra.s32 s9, $0x12;
	v8 =	vsel vm0, s11, v8;
	v9 =	vsel vm0, s31, v9  }
0x9b: {  	v10 =	vmov s0;
	v8 =	vsel vm1, s1, v8;
	s1 =	smul.u32 $0x431BDE83, s25;
	v12 =	vsel vm11, s8, v9;
	s0 =	spop (v2sf)  }
0x9c: {  	v9 =	vsel vm0, s2, v11;
	s25 =	sshrl.u32 s3, $0x1F;
	s28 =	sadd.s32 s6, s12;
	v8 =	vsel vm2, s4, v8;
	s4 =	sshra.s32 s7, $0x12;
	v11 =	vsel vm1, s29, v12  }
0x9d: {  	v3 =	vsel vm12, s21, v11  }
0x9e: {  	s2 =	smulhi.u32 $0x431BDE83, s20;
	v3 =	vsel vm2, s23, v3  }
0x9f: {  	s3 =	smulhi.u32 $0x431BDE83, s0;
	s18 =	sshra.s32 s0, $0x1F;
	v3 =	vsel vm13, s22, v3  }
0xa0: {  	v4 =	vsel vm0, s4, v10;
	v9 =	vsel vm1, s25, v9;
	s0 =	smul.u32 $0x431BDE83, s18;
	s1 =	sadd.s32 s1, s2;
	v3 =	vsel vm5, s26, v3  }
0xa1: {  	s20 =	sshra.s32 s28, $0x12;
	v8 =	vsel vm5, s24, v8;
	v4 =	vsel vm1, s5, v4;
	s22 =	sshrl.u32 s28, $0x1F;
	s2 =	sshra.s32 s1, $0x12;
	v3 =	vsel vm14, s30, v3  }
0xa2: {  	v4 =	vsel vm2, s20, v4;
	s0 =	sadd.s32 s0, s3;
	s21 =	sshra.s32 s1, $0x1F;
	v9 =	vsel vm2, s22, v9;
	v3 =	vsel vm6, s2, v3  }
0xa3: {  	s1 =	sshrl.u32 s1, $0x1F;
	v4 =	vcombine.low v4, v6;
	vm5 =	vcmask $0x3734;
	s23 =	sshra.s32 s0, $0x12;
	v3 =	vsel vm15, s21, v3  }
0xa4: {  	s24 =	sshra.s32 s0, $0x1F;
	v61 =	vsel vm6, s1, v8;
	s0 =	sshrl.u32 s0, $0x1F;
	v7 =	vcombine.low v9, v7;
	v3 =	vsel vm7, s23, v3  }
0xa5: {  	s25 =	sshra.s32 s19, $0x12;
	s26 =	sshrl.u32 s19, $0x1F;
	v6 =	vsel vm7, s0, v61;
	v4 =	vperm.xlane v4, v0;
	v3 =	vsel vm5, s24, v3  }
0xa6: {  	v6 =	vsel vm3, s26, v6;
	v7 =	vperm.xlane v7, v0;
	v3 =	vsel vm3, s25, v3  }
0xa7: {  	v6 =	vperm.xlane v6, v1;
	v3 =	vperm.xlane v3, v1;
	_ =	sdelay $0x1  }
0xa8: {  	v6 =	vsel vm8, v6, v7;
	v3 =	vsel vm8, v3, v4  }
0xa9: {  	v3 =	vadd.s32 v6, v3  }
0xaa: {  	v3 =	vmul.u32 $0xF4240, v3;
	_ =	sdelay $0x1  }
0xab: {  	v2 =	vsub.s32 v2, v3  }
0xac: {  	s28 =	rddreg [dreg:$0xc];
	vm9 =	vlt.s32 v2, $0x0;
	v3 =	vadd.s32 $0xF4240, v2  }
0xad: {  	s1 =	sadd.s32 $0x1, s28;
	v2 =	vsel vm9, v3, v2  }
0xae: {  	p0 =	sne.s32 s1, $0x32;
	v3 =	vshll.u32 v2, $0x2  }
.Ltmp1:
0xaf: {  	v62 =	vshrl.u32 v2, $0xC;
	v63 =	vand.u32 $0xFFFFC000, v2;
	v3 =	vand.u32 $0x3FFC, v3;
	(pc) =	sbr.rel @p0 .LBB2_2-.Ltmp1, $4  }
0xb0: {  	s29 =	rddreg [dreg:$0x9];
	v4 =	vand.u32 $0x3, v62;
	v3 =	vor.u32 v63, v3  }
0xb1: {  	s31 =	rddreg [dreg:$0xa];
	vm9 =	vgt.s32 v2, $0xF3FFF;
	v3 =	vor.u32 v4, v3  }
0xb2: {  	s30 =	rddreg [dreg:$0xb];
	v2 =	vsel vm9, v2, v3  }
0xb3: {  	s3 =	sadd.s32 $0x80, s31;
	s2 =	sadd.s32 $0x80, s29;
	s0 =	sadd.s32 $0x80, s30;
	vm9 =	vmmov vm10;
	[tilespmem:v5+s17+$0x0 ss:$0x1] =	vst.idx.msk $0xffff, v2  }
0xb4: {  	s0 =	simm.s32 $0x0  }
0xb5: {  	p0 =	por $0x1, $0x1;
	s0 =	sand.u32 $0x1, s0  }
0xb6: {  	s1 =	smul.u32 $0x28000, s0;
	s2 =	sadd.s32 @!p0 $0x3, s0  }
0xb7: {  	s12 =	simm.s32 $0x3200;
	s7 =	simm.s32 $0x80;
	_ =	swait.ge @!p0 [sflag:s2], $0xA000  }
0xb8: {  	s16 =	sadd.s32 $0x1, s0;
	s1 =	sshrl.u32 s1, $0x2;
	[sflag:s2] =	ssyncset.done @!p0 $0x0  }
0xb9: {  	s11 =	rddreg [dreg:$0x3];
	s15 =	sadd.s32 $0x4B00, s1;
	[sflag:s2] =	ssyncadd.s32 @!p0 $0xFFFF6000  }
0xba: {  	[tilespmem:s15], [sflag:s16] =	stream.indirect.gather [hbm4b:s11+s7], $0x20, s12, s7, $0xb8;
	[tilespmem:$0x18B00] =	vst v63  }
0xbb: {  	s3 =	simm.s32 $0x3280;
	s13 =	sadd.s32 $0x5B00, s1  }
0xbc: {  	[tilespmem:s13], [sflag:s16] =	stream.indirect.gather [hbm4b:s11+s7], $0x20, s3, s7, $0xb8;
	[tilespmem:$0x18B00] =	vst v63  }
0xbd: {  	s17 =	simm.s32 $0x3300;
	s14 =	sadd.s32 $0x6B00, s1  }
0xbe: {  	[tilespmem:s14], [sflag:s16] =	stream.indirect.gather [hbm4b:s11+s7], $0x20, s17, s7, $0xb8;
	[tilespmem:$0x18B00] =	vst v63  }
0xbf: {  	s19 =	simm.s32 $0x3380;
	s18 =	sadd.s32 $0x7B00, s1  }
0xc0: {  	[tilespmem:s18], [sflag:s16] =	stream.indirect.gather [hbm4b:s11+s7], $0x20, s19, s7, $0xb8;
	[tilespmem:$0x18B00] =	vst v63  }
0xc1: {  	s21 =	simm.s32 $0x3400;
	s20 =	sadd.s32 $0x8B00, s1  }
0xc2: {  	[tilespmem:s20], [sflag:s16] =	stream.indirect.gather [hbm4b:s11+s7], $0x20, s21, s7, $0xb8;
	[tilespmem:$0x18B00] =	vst v63  }
0xc3: {  	s23 =	simm.s32 $0x3480;
	s22 =	sadd.s32 $0x9B00, s1  }
0xc4: {  	[tilespmem:s22], [sflag:s16] =	stream.indirect.gather [hbm4b:s11+s7], $0x20, s23, s7, $0xb8;
	[tilespmem:$0x18B00] =	vst v63  }
0xc5: {  	s25 =	simm.s32 $0x3500;
	s24 =	sadd.s32 $0xAB00, s1  }
0xc6: {  	[tilespmem:s24], [sflag:s16] =	stream.indirect.gather [hbm4b:s11+s7], $0x20, s25, s7, $0xb8;
	[tilespmem:$0x18B00] =	vst v63  }
0xc7: {  	s28 =	simm.s32 $0x3580;
	s26 =	sadd.s32 $0xBB00, s1  }
0xc8: {  	[tilespmem:s26], [sflag:s16] =	stream.indirect.gather [hbm4b:s11+s7], $0x20, s28, s7, $0xb8;
	[tilespmem:$0x18B00] =	vst v63  }
0xc9: {  	s30 =	simm.s32 $0x3600;
	s29 =	sadd.s32 $0xCB00, s1  }
0xca: {  	[tilespmem:s29], [sflag:s16] =	stream.indirect.gather [hbm4b:s11+s7], $0x20, s30, s7, $0xb8;
	[tilespmem:$0x18B00] =	vst v63  }
0xcb: {  	s31 =	simm.s32 $0x3680;
	s1 =	sadd.s32 $0xDB00, s1  }
0xcc: {  	[tilespmem:s1], [sflag:s16] =	stream.indirect.gather [hbm4b:s11+s7], $0x20, s31, s7, $0xb8;
	[tilespmem:$0x18B00] =	vst v63  }
0xcd: {  	_ =	swait.ge [sflag:s16], $0x1000  }
0xce: {  	[sflag:s16] =	ssyncset.done $0x0  }
0xcf: {  	[sflag:s16] =	ssyncadd.s32 $0xFFFFF000  }
0xd0: {  	_ =	swait.ge [sflag:s16], $0x1000  }
0xd1: {  	[sflag:s16] =	ssyncset.done $0x0  }
0xd2: {  	[sflag:s16] =	ssyncadd.s32 $0xFFFFF000  }
0xd3: {  	_ =	swait.ge [sflag:s16], $0x1000  }
0xd4: {  	[sflag:s16] =	ssyncset.done $0x0  }
0xd5: {  	[sflag:s16] =	ssyncadd.s32 $0xFFFFF000  }
0xd6: {  	_ =	swait.ge [sflag:s16], $0x1000  }
0xd7: {  	[sflag:s16] =	ssyncset.done $0x0  }
0xd8: {  	[sflag:s16] =	ssyncadd.s32 $0xFFFFF000  }
0xd9: {  	_ =	swait.ge [sflag:s16], $0x1000  }
0xda: {  	[sflag:s16] =	ssyncset.done $0x0  }
0xdb: {  	[sflag:s16] =	ssyncadd.s32 $0xFFFFF000  }
0xdc: {  	_ =	swait.ge [sflag:s16], $0x1000  }
0xdd: {  	[sflag:s16] =	ssyncset.done $0x0  }
0xde: {  	[sflag:s16] =	ssyncadd.s32 $0xFFFFF000  }
0xdf: {  	_ =	swait.ge [sflag:s16], $0x1000  }
0xe0: {  	[sflag:s16] =	ssyncset.done $0x0  }
0xe1: {  	[sflag:s16] =	ssyncadd.s32 $0xFFFFF000  }
0xe2: {  	_ =	swait.ge [sflag:s16], $0x1000  }
0xe3: {  	[sflag:s16] =	ssyncset.done $0x0  }
0xe4: {  	[sflag:s16] =	ssyncadd.s32 $0xFFFFF000  }
0xe5: {  	p1 =	por $0x1, $0x1;
	_ =	swait.ge [sflag:s16], $0x1000  }
0xe6: {  	s10 =	simm.s32 $0x0;
	s0 =	sadd.s32 $0x3, s0;
	[sflag:s16] =	ssyncset.done $0x0  }
0xe7: {  	s13 =	simm.s32 $0x1400;
	s17 =	simm.s32 $0x2800;
	[sflag:s16] =	ssyncadd.s32 $0xFFFFF000  }
0xe8: {  	s18 =	simm.s32 $0x1;
	s6 =	rddreg [dreg:$0x7];
	_ =	swait.ge [sflag:s16], $0x1000  }
0xe9: {  	s14 =	sand.u32 $0x1, s18;
	s1 =	sadd.s32 $0x0, s6;
	[sflag:s16] =	ssyncset.done $0x0  }
.LBB2_6:
0xea: {  	s2 =	sadd.s32 @!p1 $0x3, s14  }
0xeb: {  	s3 =	smul.u32 $0x28000, s14;
	[sflag:s16] =	ssyncadd.s32 $0xFFFFF000;
	s19 =	smov.u32 s17  }
0xec: {  	[hbm4b:s1+s10] =	stream.linear.scatter [tilespmem:s15], [sflag:s0], $0xA000, $0x38;
	[tilespmem:$0x18B00] =	vst v63  }
0xed: {  	s17 =	sadd.s32 $0x1400, s17;
	_ =	swait.ge @!p1 [sflag:s2], $0xA000;
	s0 =	sshrl.u32 s3, $0x2  }
0xee: {  	s1 =	sshra.s32 s13, $0x2;
	[sflag:s2] =	ssyncset.done @!p1 $0x0;
	s15 =	sadd.s32 $0x4B00, s0  }
0xef: {  	s16 =	sadd.s32 $0x1, s14;
	[sflag:s2] =	ssyncadd.s32 @!p1 $0xFFFF6000;
	s2 =	sadd.s32 $0x3200, s1  }
0xf0: {  	[tilespmem:s15], [sflag:s16] =	stream.indirect.gather [hbm4b:s11+s7], $0x20, s2, s7, $0xb8;
	[tilespmem:$0x18B00] =	vst v63  }
0xf1: {  	p0 =	sne.s32 s17, $0x6400;
	s3 =	sadd.s32 $0x3280, s1;
	s2 =	sadd.s32 $0x5B00, s0  }
0xf2: {  	[tilespmem:s2], [sflag:s16] =	stream.indirect.gather [hbm4b:s11+s7], $0x20, s3, s7, $0xb8;
	[tilespmem:$0x18B00] =	vst v63  }
0xf3: {  	s2 =	sadd.s32 $0x6B00, s0;
	s3 =	sadd.s32 $0x3300, s1  }
0xf4: {  	[tilespmem:s2], [sflag:s16] =	stream.indirect.gather [hbm4b:s11+s7], $0x20, s3, s7, $0xb8;
	[tilespmem:$0x18B00] =	vst v63  }
0xf5: {  	s2 =	sadd.s32 $0x7B00, s0;
	s3 =	sadd.s32 $0x3380, s1  }
0xf6: {  	[tilespmem:s2], [sflag:s16] =	stream.indirect.gather [hbm4b:s11+s7], $0x20, s3, s7, $0xb8;
	[tilespmem:$0x18B00] =	vst v63  }
0xf7: {  	s2 =	sadd.s32 $0x8B00, s0;
	s3 =	sadd.s32 $0x3400, s1  }
0xf8: {  	[tilespmem:s2], [sflag:s16] =	stream.indirect.gather [hbm4b:s11+s7], $0x20, s3, s7, $0xb8;
	[tilespmem:$0x18B00] =	vst v63  }
0xf9: {  	s2 =	sadd.s32 $0x9B00, s0;
	s3 =	sadd.s32 $0x3480, s1  }
0xfa: {  	[tilespmem:s2], [sflag:s16] =	stream.indirect.gather [hbm4b:s11+s7], $0x20, s3, s7, $0xb8;
	[tilespmem:$0x18B00] =	vst v63  }
0xfb: {  	s2 =	sadd.s32 $0xAB00, s0;
	s3 =	sadd.s32 $0x3500, s1  }
0xfc: {  	[tilespmem:s2], [sflag:s16] =	stream.indirect.gather [hbm4b:s11+s7], $0x20, s3, s7, $0xb8;
	[tilespmem:$0x18B00] =	vst v63  }
0xfd: {  	s2 =	sadd.s32 $0xBB00, s0;
	s3 =	sadd.s32 $0x3580, s1  }
0xfe: {  	[tilespmem:s2], [sflag:s16] =	stream.indirect.gather [hbm4b:s11+s7], $0x20, s3, s7, $0xb8;
	[tilespmem:$0x18B00] =	vst v63  }
0xff: {  	s2 =	sadd.s32 $0xCB00, s0;
	s3 =	sadd.s32 $0x3600, s1  }
0x100: {  	[tilespmem:s2], [sflag:s16] =	stream.indirect.gather [hbm4b:s11+s7], $0x20, s3, s7, $0xb8;
	[tilespmem:$0x18B00] =	vst v63  }
0x101: {  	s0 =	sadd.s32 $0xDB00, s0;
	s1 =	sadd.s32 $0x3680, s1  }
0x102: {  	[tilespmem:s0], [sflag:s16] =	stream.indirect.gather [hbm4b:s11+s7], $0x20, s1, s7, $0xb8;
	[tilespmem:$0x18B00] =	vst v63  }
0x103: {  	_ =	swait.ge [sflag:s16], $0x1000  }
0x104: {  	[sflag:s16] =	ssyncset.done $0x0  }
0x105: {  	[sflag:s16] =	ssyncadd.s32 $0xFFFFF000  }
0x106: {  	_ =	swait.ge [sflag:s16], $0x1000  }
0x107: {  	[sflag:s16] =	ssyncset.done $0x0  }
0x108: {  	[sflag:s16] =	ssyncadd.s32 $0xFFFFF000  }
0x109: {  	_ =	swait.ge [sflag:s16], $0x1000  }
0x10a: {  	[sflag:s16] =	ssyncset.done $0x0  }
0x10b: {  	[sflag:s16] =	ssyncadd.s32 $0xFFFFF000  }
0x10c: {  	_ =	swait.ge [sflag:s16], $0x1000  }
0x10d: {  	[sflag:s16] =	ssyncset.done $0x0  }
0x10e: {  	[sflag:s16] =	ssyncadd.s32 $0xFFFFF000  }
0x10f: {  	_ =	swait.ge [sflag:s16], $0x1000  }
0x110: {  	[sflag:s16] =	ssyncset.done $0x0  }
0x111: {  	[sflag:s16] =	ssyncadd.s32 $0xFFFFF000  }
0x112: {  	_ =	swait.ge [sflag:s16], $0x1000  }
0x113: {  	[sflag:s16] =	ssyncset.done $0x0  }
0x114: {  	[sflag:s16] =	ssyncadd.s32 $0xFFFFF000  }
0x115: {  	_ =	swait.ge [sflag:s16], $0x1000  }
0x116: {  	[sflag:s16] =	ssyncset.done $0x0  }
0x117: {  	[sflag:s16] =	ssyncadd.s32 $0xFFFFF000  }
0x118: {  	_ =	swait.ge [sflag:s16], $0x1000  }
0x119: {  	[sflag:s16] =	ssyncset.done $0x0  }
0x11a: {  	[sflag:s16] =	ssyncadd.s32 $0xFFFFF000  }
.Ltmp2:
0x11b: {  	_ =	swait.ge [sflag:s16], $0x1000;
	(pc) =	sbr.rel @p0 .LBB2_6-.Ltmp2, $4  }
0x11c: {  	[sflag:s16] =	ssyncset.done $0x0  }
0x11d: {  	s1 =	sadd.s32 s13, s6;
	s13 =	smov.u32 s19;
	[sflag:s16] =	ssyncadd.s32 $0xFFFFF000  }
0x11e: {  	s18 =	sadd.s32 $0x1, s18;
	s0 =	sadd.s32 $0x3, s14;
	_ =	swait.ge [sflag:s16], $0x1000  }
0x11f: {  	p1 =	slt.u32 s18, $0x2;
	s14 =	sand.u32 $0x1, s18;
	[sflag:s16] =	ssyncset.done $0x0  }
0x120: {  	s2 =	sadd.s32 @!p1 $0x3, s14;
	s3 =	smul.u32 $0x28000, s14;
	[sflag:s16] =	ssyncadd.s32 $0xFFFFF000  }
0x121: {  	[hbm4b:s1+s10] =	stream.linear.scatter [tilespmem:s15], [sflag:s0], $0xA000, $0x38;
	[tilespmem:$0x18B00] =	vst v63  }
0x122: {  	s26 =	sshra.s32 s13, $0x2;
	_ =	swait.ge @!p1 [sflag:s2], $0xA000  }
0x123: {  	s4 =	sadd.s32 $0x1, s14;
	s25 =	sshrl.u32 s3, $0x2;
	[sflag:s2] =	ssyncset.done @!p1 $0x0  }
0x124: {  	s28 =	sadd.s32 $0x3200, s26;
	s0 =	sadd.s32 $0x4B00, s25;
	[sflag:s2] =	ssyncadd.s32 @!p1 $0xFFFF6000  }
0x125: {  	[tilespmem:s0], [sflag:s4] =	stream.indirect.gather [hbm4b:s11+s7], $0x20, s28, s7, $0xb8;
	[tilespmem:$0x18B00] =	vst v63  }
0x126: {  	s5 =	sadd.s32 $0x3280, s26;
	s29 =	sadd.s32 $0x5B00, s25  }
0x127: {  	[tilespmem:s29], [sflag:s4] =	stream.indirect.gather [hbm4b:s11+s7], $0x20, s5, s7, $0xb8;
	[tilespmem:$0x18B00] =	vst v63  }
0x128: {  	s31 =	sadd.s32 $0x3300, s26;
	s30 =	sadd.s32 $0x6B00, s25  }
0x129: {  	[tilespmem:s30], [sflag:s4] =	stream.indirect.gather [hbm4b:s11+s7], $0x20, s31, s7, $0xb8;
	[tilespmem:$0x18B00] =	vst v63  }
0x12a: {  	s9 =	sadd.s32 $0x3380, s26;
	s8 =	sadd.s32 $0x7B00, s25  }
0x12b: {  	[tilespmem:s8], [sflag:s4] =	stream.indirect.gather [hbm4b:s11+s7], $0x20, s9, s7, $0xb8;
	[tilespmem:$0x18B00] =	vst v63  }
0x12c: {  	s15 =	sadd.s32 $0x3400, s26;
	s12 =	sadd.s32 $0x8B00, s25  }
0x12d: {  	[tilespmem:s12], [sflag:s4] =	stream.indirect.gather [hbm4b:s11+s7], $0x20, s15, s7, $0xb8;
	[tilespmem:$0x18B00] =	vst v63  }
0x12e: {  	s17 =	sadd.s32 $0x3480, s26;
	s16 =	sadd.s32 $0x9B00, s25  }
0x12f: {  	[tilespmem:s16], [sflag:s4] =	stream.indirect.gather [hbm4b:s11+s7], $0x20, s17, s7, $0xb8;
	[tilespmem:$0x18B00] =	vst v63  }
0x130: {  	s19 =	sadd.s32 $0x3500, s26;
	s18 =	sadd.s32 $0xAB00, s25  }
0x131: {  	[tilespmem:s18], [sflag:s4] =	stream.indirect.gather [hbm4b:s11+s7], $0x20, s19, s7, $0xb8;
	[tilespmem:$0x18B00] =	vst v63  }
0x132: {  	s21 =	sadd.s32 $0x3580, s26;
	s20 =	sadd.s32 $0xBB00, s25  }
0x133: {  	[tilespmem:s20], [sflag:s4] =	stream.indirect.gather [hbm4b:s11+s7], $0x20, s21, s7, $0xb8;
	[tilespmem:$0x18B00] =	vst v63  }
0x134: {  	s23 =	sadd.s32 $0x3600, s26;
	s22 =	sadd.s32 $0xCB00, s25  }
0x135: {  	[tilespmem:s22], [sflag:s4] =	stream.indirect.gather [hbm4b:s11+s7], $0x20, s23, s7, $0xb8;
	[tilespmem:$0x18B00] =	vst v63  }
0x136: {  	s24 =	sadd.s32 $0x3680, s26;
	s1 =	sadd.s32 $0xDB00, s25  }
0x137: {  	[tilespmem:s1], [sflag:s4] =	stream.indirect.gather [hbm4b:s11+s7], $0x20, s24, s7, $0xb8;
	[tilespmem:$0x18B00] =	vst v63  }
0x138: {  	_ =	swait.ge [sflag:s4], $0x1000  }
0x139: {  	[sflag:s4] =	ssyncset.done $0x0  }
0x13a: {  	[sflag:s4] =	ssyncadd.s32 $0xFFFFF000  }
0x13b: {  	_ =	swait.ge [sflag:s4], $0x1000  }
0x13c: {  	[sflag:s4] =	ssyncset.done $0x0  }
0x13d: {  	[sflag:s4] =	ssyncadd.s32 $0xFFFFF000  }
0x13e: {  	_ =	swait.ge [sflag:s4], $0x1000  }
0x13f: {  	[sflag:s4] =	ssyncset.done $0x0  }
0x140: {  	[sflag:s4] =	ssyncadd.s32 $0xFFFFF000  }
0x141: {  	_ =	swait.ge [sflag:s4], $0x1000  }
0x142: {  	[sflag:s4] =	ssyncset.done $0x0  }
0x143: {  	[sflag:s4] =	ssyncadd.s32 $0xFFFFF000  }
0x144: {  	_ =	swait.ge [sflag:s4], $0x1000  }
0x145: {  	[sflag:s4] =	ssyncset.done $0x0  }
0x146: {  	[sflag:s4] =	ssyncadd.s32 $0xFFFFF000  }
0x147: {  	_ =	swait.ge [sflag:s4], $0x1000  }
0x148: {  	[sflag:s4] =	ssyncset.done $0x0  }
0x149: {  	[sflag:s4] =	ssyncadd.s32 $0xFFFFF000  }
0x14a: {  	_ =	swait.ge [sflag:s4], $0x1000  }
0x14b: {  	[sflag:s4] =	ssyncset.done $0x0  }
0x14c: {  	[sflag:s4] =	ssyncadd.s32 $0xFFFFF000  }
0x14d: {  	_ =	swait.ge [sflag:s4], $0x1000  }
0x14e: {  	[sflag:s4] =	ssyncset.done $0x0  }
0x14f: {  	[sflag:s4] =	ssyncadd.s32 $0xFFFFF000  }
0x150: {  	_ =	swait.ge [sflag:s4], $0x1000  }
0x151: {  	[sflag:s4] =	ssyncset.done $0x0  }
0x152: {  	[sflag:s4] =	ssyncadd.s32 $0xFFFFF000  }
0x153: {  	_ =	swait.ge [sflag:s4], $0x1000  }
0x154: {  	s26 =	sadd.s32 $0x3, s14;
	[sflag:s4] =	ssyncset.done $0x0  }
0x155: {  	s25 =	sadd.s32 s13, s6;
	s28 =	simm.s32 $0x3;
	[sflag:s4] =	ssyncadd.s32 $0xFFFFF000  }
0x156: {  	[hbm4b:s25+s10] =	stream.linear.scatter [tilespmem:s0], [sflag:s26], $0xA000, $0x38;
	[tilespmem:$0x18B00] =	vst v63  }
0x157: {  	_ =	swait.ge [sflag:s28], $0xA000  }
0x158: {  	[sflag:s28] =	ssyncset.done $0x0  }
0x159: {  	s29 =	simm.s32 $0x4;
	[sflag:s28] =	ssyncadd.s32 $0xFFFF6000  }
0x15a: {  	_ =	swait.ge [sflag:s29], $0xA000  }
0x15b: {  	s30 =	rddreg [dreg:$0x8]  }
0x15c: {  	s31 =	rddreg [dreg:$0x6];
	s2 =	sadd.s32 $0x1, s30  }
0x15d: {  	p0 =	sne.s32 s2, s31  }
.Ltmp3:
0x15e: {  	_ = 	snop;
	(pc) =	sbr.rel @p0 .LBB2_1-.Ltmp3, $3  }
0x15f: {  	_ =	sdelay $0x1  }
0x160: {  	[sflag:s29] =	ssyncset.done $0x0  }
0x161: {  	[sflag:s29] =	ssyncadd.s32 $0xFFFF6000  }
0x162: {  	_ =	sfence.sel $0x180000  }
0x163: {  	[bflag:$0x0] =	sbarrier.arrive $0xFFFF  }
0x164: {  	_ =	strace $0x90000047  }
0x165: {  	s0 =	stileid.u32;
	[bflag:$0x2] =	sbarrier.arrive $0xFFFF  }
0x166: {  	p0 =	sne.s32 s0, $0x0;
	s0 =	rddreg [dreg:$0x2]  }
0x167: {  	s0 =	sadd.s32 @!p0 $0x100000, s0  }
0x168: {  	[sflag:s0] =	ssyncadd.tile.s32 @!p0 $0x1;
	_ =	shalt  }
.Lfunc_end2:
_tile_overlayer_lowered:
.L_overlay_start_2:
0x169: {  	(tag) =	ssettag $0x2  }
0x16a: {  	s0 =	rddreg [dreg:$0x0];
	s2 =	stileid.u32  }
0x16b: {  	s1 =	rddreg [dreg:$0x1];
	p0 =	sne.s32 s2, $0x0  }
0x16c: {  	s3 =	rddreg [dreg:$0x2];
	[bflag:$0x3] =	sbarrier.arrive $0xFFFF;
	s2 =	simm.s32 @!p0 $0x1C05  }
0x16d: {  	[timem:s3], [sflag:s2] =	dma.local @!p0 [hbm:s0], s1  }
0x16e: {  	s0 =	simm.s32 @!p0 $0x5  }
0x16f: {  	_ =	swait.ge @!p0 [sflag:s0], s1  }
0x170: {  	s1 =	ssub.s32 @!p0 $0x0, s1;
	[sflag:s0] =	ssyncset.done @!p0 $0x0  }
0x171: {  	[sflag:s0] =	ssyncadd.s32 @!p0 s1  }
0x172: {  	[bflag:$0x3] =	sbarrier.arrive $0xFFFF  }
0x173: {  	_ =	shalt  }

</sc_bundles>
